<compile_context>
chip_gen: v7x
topology: tpu7x:2x2x1
jax: 0.10.2.dev20260603
libtpu: 0.0.44.dev20260713+nightly
codegen_flags: <defaults>
</compile_context>

<pallas_src>
import jax
import jax.numpy as jnp
from jax import lax
from jax.experimental import pallas as pl
from jax.experimental.pallas import tpu as pltpu
from jax.experimental.pallas import tpu_sc as plsc

N_NODES = 10000
D = 128
DH = D // 2
N_EDGES = 320000

NC = 2
NS = 16
NW = NC * NS
CHUNK = 128
BLOCKS = 79
E_PAD = NW * BLOCKS * CHUNK
N_PAD = BLOCKS * CHUNK
ROWS_PER_S = N_PAD // NS

_SC_PARAMS = pltpu.CompilerParams(needs_layout_passes=False,
                                  use_tc_tiling_on_sc=False)
_SC_MESH = plsc.VectorSubcoreMesh(core_axis_name="c", subcore_axis_name="s",
                                  num_cores=NC, num_subcores=NS)


def _deg_body(ei_hbm, out_hbm, src_v, dst_v, hist_s, hist_d):
    c = lax.axis_index("c")
    s = lax.axis_index("s")
    w = c * NS + s

    pltpu.sync_copy(ei_hbm.at[0, w], src_v)
    pltpu.sync_copy(ei_hbm.at[1, w], dst_v)

    zeros16 = jnp.zeros((16,), jnp.float32)

    def zero_body(i, _):
        hist_s[pl.ds(i * 16, 16)] = zeros16
        hist_d[pl.ds(i * 16, 16)] = zeros16
        return _

    lax.fori_loop(0, N_PAD // 16, zero_body, 0)

    ones16 = jnp.ones((16,), jnp.float32)

    def count_body(i, _):
        j = i // 8
        k = i % 8
        si = src_v[j, pl.ds(k * 16, 16)]
        di = dst_v[j, pl.ds(k * 16, 16)]
        plsc.addupdate_scatter(hist_s, [si], ones16)
        plsc.addupdate_scatter(hist_d, [di], ones16)
        return _

    lax.fori_loop(0, N_PAD // 16, count_body, 0)

    pltpu.sync_copy(hist_s, out_hbm.at[w, 0])
    pltpu.sync_copy(hist_d, out_hbm.at[w, 1])


_deg_kernel = pl.kernel(
    _deg_body,
    out_type=jax.ShapeDtypeStruct((NW, 2, N_PAD), jnp.float32),
    compiler_params=_SC_PARAMS,
    mesh=_SC_MESH,
    scratch_types=[
        pltpu.VMEM((BLOCKS, CHUNK), jnp.int32),
        pltpu.VMEM((BLOCKS, CHUNK), jnp.int32),
        pltpu.VMEM((N_PAD,), jnp.float32),
        pltpu.VMEM((N_PAD,), jnp.float32),
    ],
)


def _scale_body(feat_ref, deg_ref, out_ref):
    deg_src = jnp.sum(deg_ref[:, 0, :], axis=0)
    norm = jax.lax.rsqrt(jnp.maximum(deg_src, 1.0))
    scaled = feat_ref[...] * norm[0:N_NODES, None]
    zpad = jnp.zeros((N_PAD - N_NODES, DH), jnp.float32)
    out_ref[0, 0:N_NODES, :] = scaled[:, 0:DH]
    out_ref[0, N_NODES:N_PAD, :] = zpad
    out_ref[1, 0:N_NODES, :] = scaled[:, DH:D]
    out_ref[1, N_NODES:N_PAD, :] = zpad


_scale_kernel = pl.pallas_call(
    _scale_body,
    out_shape=jax.ShapeDtypeStruct((NC, N_PAD, DH), jnp.float32),
)


def _agg_body(feat_hbm, ei_hbm, out_hbm,
              src_v, dst_v, rows0, rows1, feat_sp, acc_ref, gsem0, gsem1):
    c = lax.axis_index("c")
    s = lax.axis_index("s")
    slab = pl.ds(s * ROWS_PER_S, ROWS_PER_S)

    pltpu.sync_copy(feat_hbm.at[c].at[slab], feat_sp.at[slab])
    zeros16 = jnp.zeros((16,), jnp.float32)

    def zrow_body(i, _):
        rows0[i // 4, pl.ds((i % 4) * 16, 16)] = zeros16
        return _

    lax.fori_loop(0, CHUNK * DH // 16, zrow_body, 0)
    for q in range(4):
        pltpu.sync_copy(rows0, acc_ref.at[pl.ds(s * ROWS_PER_S + q * CHUNK,
                                                CHUNK)])
    pltpu.sync_copy(rows0.at[pl.ds(0, ROWS_PER_S - 4 * CHUNK)],
                    acc_ref.at[pl.ds(s * ROWS_PER_S + 4 * CHUNK,
                                     ROWS_PER_S - 4 * CHUNK)])
    plsc.subcore_barrier()

    def gd(j, buf, sem):
        return pltpu.make_async_copy(feat_sp.at[src_v.at[j]], buf, sem)

    for h in (0, 1):
        pltpu.sync_copy(ei_hbm.at[0, 2 * s + h], src_v)
        pltpu.sync_copy(ei_hbm.at[1, 2 * s + h], dst_v)

        gd(0, rows0, gsem0).start()

        def round_body(r, _):
            j0 = 2 * r
            gd(j0, rows0, gsem0).wait()
            gd(j0 + 1, rows1, gsem1).start()
            pltpu.sync_copy(rows0, acc_ref.at[dst_v.at[j0]], add=True)

            j1 = 2 * r + 1
            gd(j1, rows1, gsem1).wait()

            @pl.when(j1 + 1 < BLOCKS)
            def _next():
                gd(j1 + 1, rows0, gsem0).start()

            pltpu.sync_copy(rows1, acc_ref.at[dst_v.at[j1]], add=True)
            return _

        lax.fori_loop(0, BLOCKS // 2, round_body, 0)
        gd(BLOCKS - 1, rows0, gsem0).wait()
        pltpu.sync_copy(rows0, acc_ref.at[dst_v.at[BLOCKS - 1]], add=True)

    plsc.subcore_barrier()
    pltpu.sync_copy(acc_ref.at[slab], out_hbm.at[c, slab])


_agg_kernel = pl.kernel(
    _agg_body,
    out_type=jax.ShapeDtypeStruct((NC, N_PAD, DH), jnp.float32),
    compiler_params=_SC_PARAMS,
    mesh=_SC_MESH,
    scratch_types=[
        pltpu.VMEM((BLOCKS, CHUNK), jnp.int32),
        pltpu.VMEM((BLOCKS, CHUNK), jnp.int32),
        pltpu.VMEM((CHUNK, DH), jnp.float32),
        pltpu.VMEM((CHUNK, DH), jnp.float32),
        pltpu.VMEM_SHARED((N_PAD, DH), jnp.float32),
        pltpu.VMEM_SHARED((N_PAD, DH), jnp.float32),
        pltpu.SemaphoreType.DMA,
        pltpu.SemaphoreType.DMA,
    ],
)


def _fin_body(p_ref, deg_ref, w_ref, b_ref, out_ref):
    rst = (jnp.dot(p_ref[0], w_ref[0:DH, :],
                   preferred_element_type=jnp.float32)
           + jnp.dot(p_ref[1], w_ref[DH:D, :],
                     preferred_element_type=jnp.float32))
    deg_dst = jnp.sum(deg_ref[:, 1, :], axis=0)
    norm = jax.lax.rsqrt(jnp.maximum(deg_dst, 1.0))
    out_ref[...] = rst[0:N_NODES] * norm[0:N_NODES, None] + b_ref[...]


_fin_kernel = pl.pallas_call(
    _fin_body,
    out_shape=jax.ShapeDtypeStruct((N_NODES, D), jnp.float32),
)


def kernel(feat, edge_index, W, b):
    ei = edge_index.astype(jnp.int32)
    ei = jnp.pad(ei, ((0, 0), (0, E_PAD - N_EDGES)), constant_values=N_NODES)
    ei = ei.reshape(2, NW, BLOCKS, CHUNK)

    deg = _deg_kernel(ei)
    feat2 = _scale_kernel(feat, deg)
    halves = _agg_kernel(feat2, ei)
    return _fin_kernel(halves, deg, W, b)

# --- scband reference (transcript-rebuilt; emitter-appended) ---
"""Pipeline reference for scband-twpgcnconv-37056977830255 (READ-ONLY COPY).

The authoritative reference and input builder live on the scoring server;
editing this copy changes nothing except your own understanding.
"""

import jax, jax.numpy as jnp
import numpy as np

N_NODES = 10000
D_IN = 128
D_OUT = 128
N_EDGES = 320000

def setup_inputs(seed: int = 0) -> dict:
    key = jax.random.key(seed)
    k1, k2, k3 = jax.random.split(key, 3)
    feat = jax.random.normal(k1, (N_NODES, D_IN), dtype=jnp.float32)
    edge_index = jax.random.randint(k2, (2, N_EDGES), 0, N_NODES, dtype=jnp.int64)
    # xavier_uniform for weight
    limit = float(np.sqrt(6.0 / (D_IN + D_OUT)))
    W = jax.random.uniform(k3, (D_IN, D_OUT), dtype=jnp.float32, minval=-limit, maxval=limit)
    b = jnp.zeros((D_OUT,), dtype=jnp.float32)
    return {"feat": feat, "edge_index": edge_index, "W": W, "b": b}

def reference(feat, edge_index, W, b):
    # TWPGCNConv forward with norm='both', in_feats == out_feats (so aggregate-then-matmul branch),
    # no edge_weight/edge_attr, return_elist=False.
    src = edge_index[0]
    dst = edge_index[1]
    N = feat.shape[0]
    # out-degree normalization on source features (norm='both')
    out_deg = jnp.clip(jnp.bincount(src, length=N).astype(jnp.float32), 1.0)
    norm_src = jnp.power(out_deg, -0.5)
    feat_src = feat * norm_src[:, None]
    # message passing: copy_u + sum aggregation (gather from src, scatter-add to dst)
    msgs = jnp.take(feat_src, src, axis=0)
    rst = jax.ops.segment_sum(msgs, dst, num_segments=N)
    # since in_feats <= out_feats, apply weight AFTER aggregation
    rst = jnp.matmul(rst, W)
    # in-degree normalization (norm='both')
    in_deg = jnp.clip(jnp.bincount(dst, length=N).astype(jnp.float32), 1.0)
    norm_dst = jnp.power(in_deg, -0.5)
    rst = rst * norm_dst[:, None]
    # bias
    rst = rst + b
    return rst

if __name__ == "__main__":
    import jax
    _d = setup_inputs()
    print(jax.jit(kernel)(*tuple(_d.values())))

</pallas_src>

<mosaic_0001>
#map = affine_map<(d0, d1) -> (0, 0, 0, 0)>
#map1 = affine_map<(d0, d1) -> (0, 0, 0)>
module attributes {stable_mosaic.version = 14 : i64} {
  func.func @_deg_body(%arg0: i32, %arg1: i32, %arg2: memref<2x32x79x128xi32, #tpu.memory_space<hbm>>, %arg3: memref<32x2x10112xf32, #tpu.memory_space<hbm>>, %arg4: memref<79x128xi32, #tpu.memory_space<vmem>>, %arg5: memref<79x128xi32, #tpu.memory_space<vmem>>, %arg6: memref<10112xf32, #tpu.memory_space<vmem>>, %arg7: memref<10112xf32, #tpu.memory_space<vmem>>) attributes {dimension_semantics = [#tpu.dimension_semantics<core_parallel>, #tpu.dimension_semantics<subcore_parallel>], iteration_bounds = array<i64: 2, 16>, scalar_prefetch = 0 : i64, scratch_operands = 4 : i64, tpu.core_type = #tpu.core_type<sc_vector_subcore>, window_params = [{transform_indices = #map}, {transform_indices = #map1}]} {
    %mul3A = arith.constant 16 : i32
    %mul3A_0 = arith.muli %arg0, %mul3A : i32
    %add3A = arith.addi %mul3A_0, %arg1 : i32
    %run_scoped3A = arith.constant 0 : i32
    "tpu.region"() ({
      %run_scoped3A_18 = tpu.sem_alloc : memref<!tpu.dma_semaphore, #tpu.memory_space<semaphore_mem>>
      %dma_start3A = arith.constant 0 : i32
      %dma_start3A_19 = arith.constant 0 : i32
      %dma_start3A_20 = tpu.memref_slice %arg2[%run_scoped3A, %add3A, %dma_start3A, %dma_start3A_19] : memref<2x32x79x128xi32, #tpu.memory_space<hbm>> -> memref<1x1x79x128xi32, #tpu.memory_space<hbm>>
      %dma_start3A_21 = tpu.memref_squeeze %dma_start3A_20 : memref<1x1x79x128xi32, #tpu.memory_space<hbm>> -> memref<79x128xi32, #tpu.memory_space<hbm>>
      %dma_start3A_22 = arith.constant 0 : i32
      %dma_start3A_23 = arith.constant 0 : i32
      %dma_start3A_24 = tpu.memref_slice %arg2[%run_scoped3A, %add3A, %dma_start3A_22, %dma_start3A_23] : memref<2x32x79x128xi32, #tpu.memory_space<hbm>> -> memref<1x1x79x128xi32, #tpu.memory_space<hbm>>
      %dma_start3A_25 = tpu.memref_squeeze %dma_start3A_24 : memref<1x1x79x128xi32, #tpu.memory_space<hbm>> -> memref<79x128xi32, #tpu.memory_space<hbm>>
      tpu.enqueue_dma source(%dma_start3A_25 : memref<79x128xi32, #tpu.memory_space<hbm>>) target(%arg4 : memref<79x128xi32, #tpu.memory_space<vmem>>) target_semaphore(%run_scoped3A_18 : memref<!tpu.dma_semaphore, #tpu.memory_space<semaphore_mem>>)
      %dma_wait3A = arith.constant 0 : i32
      %dma_wait3A_26 = arith.constant 0 : i32
      %dma_wait3A_27 = tpu.memref_slice %arg2[%run_scoped3A, %add3A, %dma_wait3A, %dma_wait3A_26] : memref<2x32x79x128xi32, #tpu.memory_space<hbm>> -> memref<1x1x79x128xi32, #tpu.memory_space<hbm>>
      %dma_wait3A_28 = tpu.memref_squeeze %dma_wait3A_27 : memref<1x1x79x128xi32, #tpu.memory_space<hbm>> -> memref<79x128xi32, #tpu.memory_space<hbm>>
      %dma_wait3A_29 = arith.constant 0 : i32
      %dma_wait3A_30 = arith.constant 0 : i32
      %dma_wait3A_31 = tpu.memref_slice %arg2[%run_scoped3A, %add3A, %dma_wait3A_29, %dma_wait3A_30] : memref<2x32x79x128xi32, #tpu.memory_space<hbm>> -> memref<1x1x79x128xi32, #tpu.memory_space<hbm>>
      %dma_wait3A_32 = tpu.memref_squeeze %dma_wait3A_31 : memref<1x1x79x128xi32, #tpu.memory_space<hbm>> -> memref<79x128xi32, #tpu.memory_space<hbm>>
      tpu.wait_dma2 semaphore(%run_scoped3A_18 : memref<!tpu.dma_semaphore, #tpu.memory_space<semaphore_mem>>) src(%dma_wait3A_32 : memref<79x128xi32, #tpu.memory_space<hbm>>) dst(%arg4 : memref<79x128xi32, #tpu.memory_space<vmem>>)
      tpu.yield
    }) : () -> ()
    %run_scoped3A_1 = arith.constant 1 : i32
    "tpu.region"() ({
      %run_scoped3A_18 = tpu.sem_alloc : memref<!tpu.dma_semaphore, #tpu.memory_space<semaphore_mem>>
      %dma_start3A = arith.constant 0 : i32
      %dma_start3A_19 = arith.constant 0 : i32
      %dma_start3A_20 = tpu.memref_slice %arg2[%run_scoped3A_1, %add3A, %dma_start3A, %dma_start3A_19] : memref<2x32x79x128xi32, #tpu.memory_space<hbm>> -> memref<1x1x79x128xi32, #tpu.memory_space<hbm>>
      %dma_start3A_21 = tpu.memref_squeeze %dma_start3A_20 : memref<1x1x79x128xi32, #tpu.memory_space<hbm>> -> memref<79x128xi32, #tpu.memory_space<hbm>>
      %dma_start3A_22 = arith.constant 0 : i32
      %dma_start3A_23 = arith.constant 0 : i32
      %dma_start3A_24 = tpu.memref_slice %arg2[%run_scoped3A_1, %add3A, %dma_start3A_22, %dma_start3A_23] : memref<2x32x79x128xi32, #tpu.memory_space<hbm>> -> memref<1x1x79x128xi32, #tpu.memory_space<hbm>>
      %dma_start3A_25 = tpu.memref_squeeze %dma_start3A_24 : memref<1x1x79x128xi32, #tpu.memory_space<hbm>> -> memref<79x128xi32, #tpu.memory_space<hbm>>
      tpu.enqueue_dma source(%dma_start3A_25 : memref<79x128xi32, #tpu.memory_space<hbm>>) target(%arg5 : memref<79x128xi32, #tpu.memory_space<vmem>>) target_semaphore(%run_scoped3A_18 : memref<!tpu.dma_semaphore, #tpu.memory_space<semaphore_mem>>)
      %dma_wait3A = arith.constant 0 : i32
      %dma_wait3A_26 = arith.constant 0 : i32
      %dma_wait3A_27 = tpu.memref_slice %arg2[%run_scoped3A_1, %add3A, %dma_wait3A, %dma_wait3A_26] : memref<2x32x79x128xi32, #tpu.memory_space<hbm>> -> memref<1x1x79x128xi32, #tpu.memory_space<hbm>>
      %dma_wait3A_28 = tpu.memref_squeeze %dma_wait3A_27 : memref<1x1x79x128xi32, #tpu.memory_space<hbm>> -> memref<79x128xi32, #tpu.memory_space<hbm>>
      %dma_wait3A_29 = arith.constant 0 : i32
      %dma_wait3A_30 = arith.constant 0 : i32
      %dma_wait3A_31 = tpu.memref_slice %arg2[%run_scoped3A_1, %add3A, %dma_wait3A_29, %dma_wait3A_30] : memref<2x32x79x128xi32, #tpu.memory_space<hbm>> -> memref<1x1x79x128xi32, #tpu.memory_space<hbm>>
      %dma_wait3A_32 = tpu.memref_squeeze %dma_wait3A_31 : memref<1x1x79x128xi32, #tpu.memory_space<hbm>> -> memref<79x128xi32, #tpu.memory_space<hbm>>
      tpu.wait_dma2 semaphore(%run_scoped3A_18 : memref<!tpu.dma_semaphore, #tpu.memory_space<semaphore_mem>>) src(%dma_wait3A_32 : memref<79x128xi32, #tpu.memory_space<hbm>>) dst(%arg5 : memref<79x128xi32, #tpu.memory_space<vmem>>)
      tpu.yield
    }) : () -> ()
    %broadcast_in_dim3A = arith.constant 0.000000e+00 : f32
    %broadcast_in_dim3A_2 = vector.broadcast %broadcast_in_dim3A : f32 to vector<16xf32>
    %scan3A = arith.constant 0 : i32
    %scan3A_3 = arith.constant 0 : i32
    %scan3A_4 = arith.constant 632 : i32
    %scan3A_5 = arith.addi %scan3A_3, %scan3A_4 : i32
    %scan3A_6 = arith.constant 1 : i32
    scf.for %scan3A_18 = %scan3A_3 to %scan3A_5 step %scan3A_6  : i32 {
      %mul3A_19 = arith.constant 16 : i32
      %mul3A_20 = arith.muli %scan3A_18, %mul3A_19 : i32
      %swap3A = arith.index_cast %mul3A_20 : i32 to index
      %swap3A_21 = tpu.vector_load %arg6[%swap3A] {strides = array<i32>} : memref<10112xf32, #tpu.memory_space<vmem>>, vector<16xf32>,
      tpu.vector_store %arg6[%swap3A], %broadcast_in_dim3A_2 {strides = array<i32>} : memref<10112xf32, #tpu.memory_space<vmem>>, vector<16xf32>,
      %mul3A_22 = arith.constant 16 : i32
      %mul3A_23 = arith.muli %scan3A_18, %mul3A_22 : i32
      %swap3A_24 = arith.index_cast %mul3A_23 : i32 to index
      %swap3A_25 = tpu.vector_load %arg7[%swap3A_24] {strides = array<i32>} : memref<10112xf32, #tpu.memory_space<vmem>>, vector<16xf32>,
      tpu.vector_store %arg7[%swap3A_24], %broadcast_in_dim3A_2 {strides = array<i32>} : memref<10112xf32, #tpu.memory_space<vmem>>, vector<16xf32>,
    }
    %scan3A_7 = arith.constant 632 : i32
    %broadcast_in_dim3A_8 = arith.constant 1.000000e+00 : f32
    %broadcast_in_dim3A_9 = vector.broadcast %broadcast_in_dim3A_8 : f32 to vector<16xf32>
    %scan3A_10 = arith.constant 0 : i32
    %scan3A_11 = arith.constant 0 : i32
    %scan3A_12 = arith.constant 632 : i32
    %scan3A_13 = arith.addi %scan3A_11, %scan3A_12 : i32
    %scan3A_14 = arith.constant 1 : i32
    scf.for %scan3A_18 = %scan3A_11 to %scan3A_13 step %scan3A_14  : i32 {
      %jit3A = arith.constant 8 : i32
      %div3A = arith.divsi %scan3A_18, %jit3A : i32
      %sign3A = arith.constant 0 : i32
      %sign3A_19 = arith.cmpi sgt, %scan3A_18, %sign3A : i32
      %sign3A_20 = arith.extui %sign3A_19 : i1 to i32
      %sign3A_21 = arith.constant 0 : i32
      %sign3A_22 = arith.cmpi slt, %scan3A_18, %sign3A_21 : i32
      %sign3A_23 = arith.extui %sign3A_22 : i1 to i32
      %sign3A_24 = arith.subi %sign3A_20, %sign3A_23 : i32
      %sign3A_25 = arith.constant 0 : i32
      %sign3A_26 = arith.cmpi sgt, %jit3A, %sign3A_25 : i32
      %sign3A_27 = arith.extui %sign3A_26 : i1 to i32
      %sign3A_28 = arith.constant 0 : i32
      %sign3A_29 = arith.cmpi slt, %jit3A, %sign3A_28 : i32
      %sign3A_30 = arith.extui %sign3A_29 : i1 to i32
      %sign3A_31 = arith.subi %sign3A_27, %sign3A_30 : i32
      %ne3A = arith.cmpi ne, %sign3A_24, %sign3A_31 : i32
      %rem3A = arith.remsi %scan3A_18, %jit3A : i32
      %ne3A_32 = arith.constant 0 : i32
      %ne3A_33 = arith.cmpi ne, %rem3A, %ne3A_32 : i32
      %and3A = arith.andi %ne3A, %ne3A_33 : i1
      %sub3A = arith.constant 1 : i32
      %sub3A_34 = arith.subi %div3A, %sub3A : i32
      %select_n3A = arith.select %and3A, %sub3A_34, %div3A : i32
      %jit3A_35 = arith.constant 8 : i32
      %eq3A = arith.constant 0 : i32
      %eq3A_36 = arith.cmpi eq, %jit3A_35, %eq3A : i32
      %jit3A_37 = arith.constant 1 : i32
      %select_n3A_38 = arith.select %eq3A_36, %jit3A_37, %jit3A_35 : i32
      %rem3A_39 = arith.remsi %scan3A_18, %select_n3A_38 : i32
      %ne3A_40 = arith.constant 0 : i32
      %ne3A_41 = arith.cmpi ne, %rem3A_39, %ne3A_40 : i32
      %lt3A = arith.constant 0 : i32
      %lt3A_42 = arith.cmpi slt, %rem3A_39, %lt3A : i32
      %lt3A_43 = arith.constant 0 : i32
      %lt3A_44 = arith.cmpi slt, %select_n3A_38, %lt3A_43 : i32
      %ne3A_45 = arith.xori %lt3A_42, %lt3A_44 : i1
      %and3A_46 = arith.andi %ne3A_45, %ne3A_41 : i1
      %add3A_47 = arith.addi %rem3A_39, %select_n3A_38 : i32
      %select_n3A_48 = arith.select %and3A_46, %add3A_47, %rem3A_39 : i32
      %mul3A_49 = arith.constant 16 : i32
      %mul3A_50 = arith.muli %select_n3A_48, %mul3A_49 : i32
      %get3A = arith.index_cast %select_n3A : i32 to index
      %get3A_51 = arith.index_cast %mul3A_50 : i32 to index
      %get3A_52 = tpu.vector_load %arg4[%get3A, %get3A_51] {strides = array<i32>} : memref<79x128xi32, #tpu.memory_space<vmem>>, vector<16xi32>,
      %mul3A_53 = arith.constant 16 : i32
      %mul3A_54 = arith.muli %select_n3A_48, %mul3A_53 : i32
      %get3A_55 = arith.index_cast %select_n3A : i32 to index
      %get3A_56 = arith.index_cast %mul3A_54 : i32 to index
      %get3A_57 = tpu.vector_load %arg5[%get3A_55, %get3A_56] {strides = array<i32>} : memref<79x128xi32, #tpu.memory_space<vmem>>, vector<16xi32>,
      tpu.vector_store_idx %arg6[%get3A_52], %broadcast_in_dim3A_9 {add = true} : memref<10112xf32, #tpu.memory_space<vmem>>[vector<16xi32>], vector<16xf32>,
      tpu.vector_store_idx %arg7[%get3A_57], %broadcast_in_dim3A_9 {add = true} : memref<10112xf32, #tpu.memory_space<vmem>>[vector<16xi32>], vector<16xf32>,
    }
    %scan3A_15 = arith.constant 632 : i32
    %run_scoped3A_16 = arith.constant 0 : i32
    "tpu.region"() ({
      %run_scoped3A_18 = tpu.sem_alloc : memref<!tpu.dma_semaphore, #tpu.memory_space<semaphore_mem>>
      %dma_start3A = arith.constant 0 : i32
      %dma_start3A_19 = tpu.memref_slice %arg3[%add3A, %run_scoped3A_16, %dma_start3A] : memref<32x2x10112xf32, #tpu.memory_space<hbm>> -> memref<1x1x10112xf32, #tpu.memory_space<hbm>>
      %dma_start3A_20 = tpu.memref_squeeze %dma_start3A_19 : memref<1x1x10112xf32, #tpu.memory_space<hbm>> -> memref<10112xf32, #tpu.memory_space<hbm>>
      %dma_start3A_21 = arith.constant 0 : i32
      %dma_start3A_22 = tpu.memref_slice %arg3[%add3A, %run_scoped3A_16, %dma_start3A_21] : memref<32x2x10112xf32, #tpu.memory_space<hbm>> -> memref<1x1x10112xf32, #tpu.memory_space<hbm>>
      %dma_start3A_23 = tpu.memref_squeeze %dma_start3A_22 : memref<1x1x10112xf32, #tpu.memory_space<hbm>> -> memref<10112xf32, #tpu.memory_space<hbm>>
      tpu.enqueue_dma source(%arg6 : memref<10112xf32, #tpu.memory_space<vmem>>) target(%dma_start3A_23 : memref<10112xf32, #tpu.memory_space<hbm>>) target_semaphore(%run_scoped3A_18 : memref<!tpu.dma_semaphore, #tpu.memory_space<semaphore_mem>>)
      %dma_wait3A = arith.constant 0 : i32
      %dma_wait3A_24 = tpu.memref_slice %arg3[%add3A, %run_scoped3A_16, %dma_wait3A] : memref<32x2x10112xf32, #tpu.memory_space<hbm>> -> memref<1x1x10112xf32, #tpu.memory_space<hbm>>
      %dma_wait3A_25 = tpu.memref_squeeze %dma_wait3A_24 : memref<1x1x10112xf32, #tpu.memory_space<hbm>> -> memref<10112xf32, #tpu.memory_space<hbm>>
      %dma_wait3A_26 = arith.constant 0 : i32
      %dma_wait3A_27 = tpu.memref_slice %arg3[%add3A, %run_scoped3A_16, %dma_wait3A_26] : memref<32x2x10112xf32, #tpu.memory_space<hbm>> -> memref<1x1x10112xf32, #tpu.memory_space<hbm>>
      %dma_wait3A_28 = tpu.memref_squeeze %dma_wait3A_27 : memref<1x1x10112xf32, #tpu.memory_space<hbm>> -> memref<10112xf32, #tpu.memory_space<hbm>>
      tpu.wait_dma2 semaphore(%run_scoped3A_18 : memref<!tpu.dma_semaphore, #tpu.memory_space<semaphore_mem>>) src(%arg6 : memref<10112xf32, #tpu.memory_space<vmem>>) dst(%dma_wait3A_28 : memref<10112xf32, #tpu.memory_space<hbm>>)
      tpu.yield
    }) : () -> ()
    %run_scoped3A_17 = arith.constant 1 : i32
    "tpu.region"() ({
      %run_scoped3A_18 = tpu.sem_alloc : memref<!tpu.dma_semaphore, #tpu.memory_space<semaphore_mem>>
      %dma_start3A = arith.constant 0 : i32
      %dma_start3A_19 = tpu.memref_slice %arg3[%add3A, %run_scoped3A_17, %dma_start3A] : memref<32x2x10112xf32, #tpu.memory_space<hbm>> -> memref<1x1x10112xf32, #tpu.memory_space<hbm>>
      %dma_start3A_20 = tpu.memref_squeeze %dma_start3A_19 : memref<1x1x10112xf32, #tpu.memory_space<hbm>> -> memref<10112xf32, #tpu.memory_space<hbm>>
      %dma_start3A_21 = arith.constant 0 : i32
      %dma_start3A_22 = tpu.memref_slice %arg3[%add3A, %run_scoped3A_17, %dma_start3A_21] : memref<32x2x10112xf32, #tpu.memory_space<hbm>> -> memref<1x1x10112xf32, #tpu.memory_space<hbm>>
      %dma_start3A_23 = tpu.memref_squeeze %dma_start3A_22 : memref<1x1x10112xf32, #tpu.memory_space<hbm>> -> memref<10112xf32, #tpu.memory_space<hbm>>
      tpu.enqueue_dma source(%arg7 : memref<10112xf32, #tpu.memory_space<vmem>>) target(%dma_start3A_23 : memref<10112xf32, #tpu.memory_space<hbm>>) target_semaphore(%run_scoped3A_18 : memref<!tpu.dma_semaphore, #tpu.memory_space<semaphore_mem>>)
      %dma_wait3A = arith.constant 0 : i32
      %dma_wait3A_24 = tpu.memref_slice %arg3[%add3A, %run_scoped3A_17, %dma_wait3A] : memref<32x2x10112xf32, #tpu.memory_space<hbm>> -> memref<1x1x10112xf32, #tpu.memory_space<hbm>>
      %dma_wait3A_25 = tpu.memref_squeeze %dma_wait3A_24 : memref<1x1x10112xf32, #tpu.memory_space<hbm>> -> memref<10112xf32, #tpu.memory_space<hbm>>
      %dma_wait3A_26 = arith.constant 0 : i32
      %dma_wait3A_27 = tpu.memref_slice %arg3[%add3A, %run_scoped3A_17, %dma_wait3A_26] : memref<32x2x10112xf32, #tpu.memory_space<hbm>> -> memref<1x1x10112xf32, #tpu.memory_space<hbm>>
      %dma_wait3A_28 = tpu.memref_squeeze %dma_wait3A_27 : memref<1x1x10112xf32, #tpu.memory_space<hbm>> -> memref<10112xf32, #tpu.memory_space<hbm>>
      tpu.wait_dma2 semaphore(%run_scoped3A_18 : memref<!tpu.dma_semaphore, #tpu.memory_space<semaphore_mem>>) src(%arg7 : memref<10112xf32, #tpu.memory_space<vmem>>) dst(%dma_wait3A_28 : memref<10112xf32, #tpu.memory_space<hbm>>)
      tpu.yield
    }) : () -> ()
    return
  }
}

#map = affine_map<(d0, d1) -> (0, 0, 0)>
#map1 = affine_map<(d0, d1) -> (0, 0, 0, 0)>
module attributes {stable_mosaic.version = 14 : i64} {
  func.func @_agg_body(%arg0: i32, %arg1: i32, %arg2: memref<2x10112x64xf32, #tpu.memory_space<hbm>>, %arg3: memref<2x32x79x128xi32, #tpu.memory_space<hbm>>, %arg4: memref<2x10112x64xf32, #tpu.memory_space<hbm>>, %arg5: memref<79x128xi32, #tpu.memory_space<vmem>>, %arg6: memref<79x128xi32, #tpu.memory_space<vmem>>, %arg7: memref<128x64xf32, #tpu.memory_space<vmem>>, %arg8: memref<128x64xf32, #tpu.memory_space<vmem>>, %arg9: memref<10112x64xf32, #tpu.memory_space<vmem_shared>>, %arg10: memref<10112x64xf32, #tpu.memory_space<vmem_shared>>, %arg11: memref<!tpu.dma_semaphore, #tpu.memory_space<semaphore_mem>>, %arg12: memref<!tpu.dma_semaphore, #tpu.memory_space<semaphore_mem>>) attributes {dimension_semantics = [#tpu.dimension_semantics<core_parallel>, #tpu.dimension_semantics<subcore_parallel>], iteration_bounds = array<i64: 2, 16>, scalar_prefetch = 0 : i64, scratch_operands = 8 : i64, tpu.core_type = #tpu.core_type<sc_vector_subcore>, window_params = [{transform_indices = #map}, {transform_indices = #map1}, {transform_indices = #map}]} {
    %mul3A = arith.constant 632 : i32
    %mul3A_0 = arith.muli %arg1, %mul3A : i32
    "tpu.region"() ({
      %run_scoped3A_86 = tpu.sem_alloc : memref<!tpu.dma_semaphore, #tpu.memory_space<semaphore_mem>>
      %dma_start3A_87 = arith.constant 0 : i32
      %dma_start3A_88 = tpu.memref_slice %arg9[%mul3A_0, %dma_start3A_87] : memref<10112x64xf32, #tpu.memory_space<vmem_shared>> -> memref<632x64xf32, #tpu.memory_space<vmem_shared>>
      %dma_start3A_89 = arith.constant 0 : i32
      %dma_start3A_90 = arith.constant 0 : i32
      %dma_start3A_91 = tpu.memref_slice %arg2[%arg0, %dma_start3A_89, %dma_start3A_90] : memref<2x10112x64xf32, #tpu.memory_space<hbm>> -> memref<1x10112x64xf32, #tpu.memory_space<hbm>>
      %dma_start3A_92 = tpu.memref_squeeze %dma_start3A_91 : memref<1x10112x64xf32, #tpu.memory_space<hbm>> -> memref<10112x64xf32, #tpu.memory_space<hbm>>
      %dma_start3A_93 = arith.constant 0 : i32
      %dma_start3A_94 = tpu.memref_slice %dma_start3A_92[%mul3A_0, %dma_start3A_93] : memref<10112x64xf32, #tpu.memory_space<hbm>> -> memref<632x64xf32, #tpu.memory_space<hbm>>
      tpu.enqueue_dma source(%dma_start3A_94 : memref<632x64xf32, #tpu.memory_space<hbm>>) target(%dma_start3A_88 : memref<632x64xf32, #tpu.memory_space<vmem_shared>>) target_semaphore(%run_scoped3A_86 : memref<!tpu.dma_semaphore, #tpu.memory_space<semaphore_mem>>)
      %dma_wait3A_95 = arith.constant 0 : i32
      %dma_wait3A_96 = tpu.memref_slice %arg9[%mul3A_0, %dma_wait3A_95] : memref<10112x64xf32, #tpu.memory_space<vmem_shared>> -> memref<632x64xf32, #tpu.memory_space<vmem_shared>>
      %dma_wait3A_97 = arith.constant 0 : i32
      %dma_wait3A_98 = arith.constant 0 : i32
      %dma_wait3A_99 = tpu.memref_slice %arg2[%arg0, %dma_wait3A_97, %dma_wait3A_98] : memref<2x10112x64xf32, #tpu.memory_space<hbm>> -> memref<1x10112x64xf32, #tpu.memory_space<hbm>>
      %dma_wait3A_100 = tpu.memref_squeeze %dma_wait3A_99 : memref<1x10112x64xf32, #tpu.memory_space<hbm>> -> memref<10112x64xf32, #tpu.memory_space<hbm>>
      %dma_wait3A_101 = arith.constant 0 : i32
      %dma_wait3A_102 = tpu.memref_slice %dma_wait3A_100[%mul3A_0, %dma_wait3A_101] : memref<10112x64xf32, #tpu.memory_space<hbm>> -> memref<632x64xf32, #tpu.memory_space<hbm>>
      tpu.wait_dma2 semaphore(%run_scoped3A_86 : memref<!tpu.dma_semaphore, #tpu.memory_space<semaphore_mem>>) src(%dma_wait3A_102 : memref<632x64xf32, #tpu.memory_space<hbm>>) dst(%dma_wait3A_96 : memref<632x64xf32, #tpu.memory_space<vmem_shared>>)
      tpu.yield
    }) : () -> ()
    %broadcast_in_dim3A = arith.constant 0.000000e+00 : f32
    %broadcast_in_dim3A_1 = vector.broadcast %broadcast_in_dim3A : f32 to vector<16xf32>
    %scan3A = arith.constant 0 : i32
    %scan3A_2 = arith.constant 0 : i32
    %scan3A_3 = arith.constant 512 : i32
    %scan3A_4 = arith.addi %scan3A_2, %scan3A_3 : i32
    %scan3A_5 = arith.constant 1 : i32
    scf.for %scan3A_86 = %scan3A_2 to %scan3A_4 step %scan3A_5  : i32 {
      %jit3A = arith.constant 4 : i32
      %div3A = arith.divsi %scan3A_86, %jit3A : i32
      %sign3A = arith.constant 0 : i32
      %sign3A_87 = arith.cmpi sgt, %scan3A_86, %sign3A : i32
      %sign3A_88 = arith.extui %sign3A_87 : i1 to i32
      %sign3A_89 = arith.constant 0 : i32
      %sign3A_90 = arith.cmpi slt, %scan3A_86, %sign3A_89 : i32
      %sign3A_91 = arith.extui %sign3A_90 : i1 to i32
      %sign3A_92 = arith.subi %sign3A_88, %sign3A_91 : i32
      %sign3A_93 = arith.constant 0 : i32
      %sign3A_94 = arith.cmpi sgt, %jit3A, %sign3A_93 : i32
      %sign3A_95 = arith.extui %sign3A_94 : i1 to i32
      %sign3A_96 = arith.constant 0 : i32
      %sign3A_97 = arith.cmpi slt, %jit3A, %sign3A_96 : i32
      %sign3A_98 = arith.extui %sign3A_97 : i1 to i32
      %sign3A_99 = arith.subi %sign3A_95, %sign3A_98 : i32
      %ne3A = arith.cmpi ne, %sign3A_92, %sign3A_99 : i32
      %rem3A = arith.remsi %scan3A_86, %jit3A : i32
      %ne3A_100 = arith.constant 0 : i32
      %ne3A_101 = arith.cmpi ne, %rem3A, %ne3A_100 : i32
      %and3A = arith.andi %ne3A, %ne3A_101 : i1
      %sub3A = arith.constant 1 : i32
      %sub3A_102 = arith.subi %div3A, %sub3A : i32
      %select_n3A = arith.select %and3A, %sub3A_102, %div3A : i32
      %jit3A_103 = arith.constant 4 : i32
      %eq3A = arith.constant 0 : i32
      %eq3A_104 = arith.cmpi eq, %jit3A_103, %eq3A : i32
      %jit3A_105 = arith.constant 1 : i32
      %select_n3A_106 = arith.select %eq3A_104, %jit3A_105, %jit3A_103 : i32
      %rem3A_107 = arith.remsi %scan3A_86, %select_n3A_106 : i32
      %ne3A_108 = arith.constant 0 : i32
      %ne3A_109 = arith.cmpi ne, %rem3A_107, %ne3A_108 : i32
      %lt3A = arith.constant 0 : i32
      %lt3A_110 = arith.cmpi slt, %rem3A_107, %lt3A : i32
      %lt3A_111 = arith.constant 0 : i32
      %lt3A_112 = arith.cmpi slt, %select_n3A_106, %lt3A_111 : i32
      %ne3A_113 = arith.xori %lt3A_110, %lt3A_112 : i1
      %and3A_114 = arith.andi %ne3A_113, %ne3A_109 : i1
      %add3A_115 = arith.addi %rem3A_107, %select_n3A_106 : i32
      %select_n3A_116 = arith.select %and3A_114, %add3A_115, %rem3A_107 : i32
      %mul3A_117 = arith.constant 16 : i32
      %mul3A_118 = arith.muli %select_n3A_116, %mul3A_117 : i32
      %swap3A = arith.index_cast %select_n3A : i32 to index
      %swap3A_119 = arith.index_cast %mul3A_118 : i32 to index
      %swap3A_120 = tpu.vector_load %arg7[%swap3A, %swap3A_119] {strides = array<i32>} : memref<128x64xf32, #tpu.memory_space<vmem>>, vector<16xf32>,
      tpu.vector_store %arg7[%swap3A, %swap3A_119], %broadcast_in_dim3A_1 {strides = array<i32>} : memref<128x64xf32, #tpu.memory_space<vmem>>, vector<16xf32>,
    }
    %scan3A_6 = arith.constant 512 : i32
    %mul3A_7 = arith.constant 632 : i32
    %mul3A_8 = arith.muli %arg1, %mul3A_7 : i32
    %add3A = arith.constant 0 : i32
    %add3A_9 = arith.addi %mul3A_8, %add3A : i32
    "tpu.region"() ({
      %run_scoped3A_86 = tpu.sem_alloc : memref<!tpu.dma_semaphore, #tpu.memory_space<semaphore_mem>>
      %dma_start3A_87 = arith.constant 0 : i32
      %dma_start3A_88 = tpu.memref_slice %arg10[%add3A_9, %dma_start3A_87] : memref<10112x64xf32, #tpu.memory_space<vmem_shared>> -> memref<128x64xf32, #tpu.memory_space<vmem_shared>>
      %dma_start3A_89 = arith.constant 0 : i32
      %dma_start3A_90 = tpu.memref_slice %arg10[%add3A_9, %dma_start3A_89] : memref<10112x64xf32, #tpu.memory_space<vmem_shared>> -> memref<128x64xf32, #tpu.memory_space<vmem_shared>>
      tpu.enqueue_dma source(%arg7 : memref<128x64xf32, #tpu.memory_space<vmem>>) target(%dma_start3A_90 : memref<128x64xf32, #tpu.memory_space<vmem_shared>>) target_semaphore(%run_scoped3A_86 : memref<!tpu.dma_semaphore, #tpu.memory_space<semaphore_mem>>)
      %dma_wait3A_91 = arith.constant 0 : i32
      %dma_wait3A_92 = tpu.memref_slice %arg10[%add3A_9, %dma_wait3A_91] : memref<10112x64xf32, #tpu.memory_space<vmem_shared>> -> memref<128x64xf32, #tpu.memory_space<vmem_shared>>
      %dma_wait3A_93 = arith.constant 0 : i32
      %dma_wait3A_94 = tpu.memref_slice %arg10[%add3A_9, %dma_wait3A_93] : memref<10112x64xf32, #tpu.memory_space<vmem_shared>> -> memref<128x64xf32, #tpu.memory_space<vmem_shared>>
      tpu.wait_dma2 semaphore(%run_scoped3A_86 : memref<!tpu.dma_semaphore, #tpu.memory_space<semaphore_mem>>) src(%arg7 : memref<128x64xf32, #tpu.memory_space<vmem>>) dst(%dma_wait3A_94 : memref<128x64xf32, #tpu.memory_space<vmem_shared>>)
      tpu.yield
    }) : () -> ()
    %mul3A_10 = arith.constant 632 : i32
    %mul3A_11 = arith.muli %arg1, %mul3A_10 : i32
    %add3A_12 = arith.constant 128 : i32
    %add3A_13 = arith.addi %mul3A_11, %add3A_12 : i32
    "tpu.region"() ({
      %run_scoped3A_86 = tpu.sem_alloc : memref<!tpu.dma_semaphore, #tpu.memory_space<semaphore_mem>>
      %dma_start3A_87 = arith.constant 0 : i32
      %dma_start3A_88 = tpu.memref_slice %arg10[%add3A_13, %dma_start3A_87] : memref<10112x64xf32, #tpu.memory_space<vmem_shared>> -> memref<128x64xf32, #tpu.memory_space<vmem_shared>>
      %dma_start3A_89 = arith.constant 0 : i32
      %dma_start3A_90 = tpu.memref_slice %arg10[%add3A_13, %dma_start3A_89] : memref<10112x64xf32, #tpu.memory_space<vmem_shared>> -> memref<128x64xf32, #tpu.memory_space<vmem_shared>>
      tpu.enqueue_dma source(%arg7 : memref<128x64xf32, #tpu.memory_space<vmem>>) target(%dma_start3A_90 : memref<128x64xf32, #tpu.memory_space<vmem_shared>>) target_semaphore(%run_scoped3A_86 : memref<!tpu.dma_semaphore, #tpu.memory_space<semaphore_mem>>)
      %dma_wait3A_91 = arith.constant 0 : i32
      %dma_wait3A_92 = tpu.memref_slice %arg10[%add3A_13, %dma_wait3A_91] : memref<10112x64xf32, #tpu.memory_space<vmem_shared>> -> memref<128x64xf32, #tpu.memory_space<vmem_shared>>
      %dma_wait3A_93 = arith.constant 0 : i32
      %dma_wait3A_94 = tpu.memref_slice %arg10[%add3A_13, %dma_wait3A_93] : memref<10112x64xf32, #tpu.memory_space<vmem_shared>> -> memref<128x64xf32, #tpu.memory_space<vmem_shared>>
      tpu.wait_dma2 semaphore(%run_scoped3A_86 : memref<!tpu.dma_semaphore, #tpu.memory_space<semaphore_mem>>) src(%arg7 : memref<128x64xf32, #tpu.memory_space<vmem>>) dst(%dma_wait3A_94 : memref<128x64xf32, #tpu.memory_space<vmem_shared>>)
      tpu.yield
    }) : () -> ()
    %mul3A_14 = arith.constant 632 : i32
    %mul3A_15 = arith.muli %arg1, %mul3A_14 : i32
    %add3A_16 = arith.constant 256 : i32
    %add3A_17 = arith.addi %mul3A_15, %add3A_16 : i32
    "tpu.region"() ({
      %run_scoped3A_86 = tpu.sem_alloc : memref<!tpu.dma_semaphore, #tpu.memory_space<semaphore_mem>>
      %dma_start3A_87 = arith.constant 0 : i32
      %dma_start3A_88 = tpu.memref_slice %arg10[%add3A_17, %dma_start3A_87] : memref<10112x64xf32, #tpu.memory_space<vmem_shared>> -> memref<128x64xf32, #tpu.memory_space<vmem_shared>>
      %dma_start3A_89 = arith.constant 0 : i32
      %dma_start3A_90 = tpu.memref_slice %arg10[%add3A_17, %dma_start3A_89] : memref<10112x64xf32, #tpu.memory_space<vmem_shared>> -> memref<128x64xf32, #tpu.memory_space<vmem_shared>>
      tpu.enqueue_dma source(%arg7 : memref<128x64xf32, #tpu.memory_space<vmem>>) target(%dma_start3A_90 : memref<128x64xf32, #tpu.memory_space<vmem_shared>>) target_semaphore(%run_scoped3A_86 : memref<!tpu.dma_semaphore, #tpu.memory_space<semaphore_mem>>)
      %dma_wait3A_91 = arith.constant 0 : i32
      %dma_wait3A_92 = tpu.memref_slice %arg10[%add3A_17, %dma_wait3A_91] : memref<10112x64xf32, #tpu.memory_space<vmem_shared>> -> memref<128x64xf32, #tpu.memory_space<vmem_shared>>
      %dma_wait3A_93 = arith.constant 0 : i32
      %dma_wait3A_94 = tpu.memref_slice %arg10[%add3A_17, %dma_wait3A_93] : memref<10112x64xf32, #tpu.memory_space<vmem_shared>> -> memref<128x64xf32, #tpu.memory_space<vmem_shared>>
      tpu.wait_dma2 semaphore(%run_scoped3A_86 : memref<!tpu.dma_semaphore, #tpu.memory_space<semaphore_mem>>) src(%arg7 : memref<128x64xf32, #tpu.memory_space<vmem>>) dst(%dma_wait3A_94 : memref<128x64xf32, #tpu.memory_space<vmem_shared>>)
      tpu.yield
    }) : () -> ()
    %mul3A_18 = arith.constant 632 : i32
    %mul3A_19 = arith.muli %arg1, %mul3A_18 : i32
    %add3A_20 = arith.constant 384 : i32
    %add3A_21 = arith.addi %mul3A_19, %add3A_20 : i32
    "tpu.region"() ({
      %run_scoped3A_86 = tpu.sem_alloc : memref<!tpu.dma_semaphore, #tpu.memory_space<semaphore_mem>>
      %dma_start3A_87 = arith.constant 0 : i32
      %dma_start3A_88 = tpu.memref_slice %arg10[%add3A_21, %dma_start3A_87] : memref<10112x64xf32, #tpu.memory_space<vmem_shared>> -> memref<128x64xf32, #tpu.memory_space<vmem_shared>>
      %dma_start3A_89 = arith.constant 0 : i32
      %dma_start3A_90 = tpu.memref_slice %arg10[%add3A_21, %dma_start3A_89] : memref<10112x64xf32, #tpu.memory_space<vmem_shared>> -> memref<128x64xf32, #tpu.memory_space<vmem_shared>>
      tpu.enqueue_dma source(%arg7 : memref<128x64xf32, #tpu.memory_space<vmem>>) target(%dma_start3A_90 : memref<128x64xf32, #tpu.memory_space<vmem_shared>>) target_semaphore(%run_scoped3A_86 : memref<!tpu.dma_semaphore, #tpu.memory_space<semaphore_mem>>)
      %dma_wait3A_91 = arith.constant 0 : i32
      %dma_wait3A_92 = tpu.memref_slice %arg10[%add3A_21, %dma_wait3A_91] : memref<10112x64xf32, #tpu.memory_space<vmem_shared>> -> memref<128x64xf32, #tpu.memory_space<vmem_shared>>
      %dma_wait3A_93 = arith.constant 0 : i32
      %dma_wait3A_94 = tpu.memref_slice %arg10[%add3A_21, %dma_wait3A_93] : memref<10112x64xf32, #tpu.memory_space<vmem_shared>> -> memref<128x64xf32, #tpu.memory_space<vmem_shared>>
      tpu.wait_dma2 semaphore(%run_scoped3A_86 : memref<!tpu.dma_semaphore, #tpu.memory_space<semaphore_mem>>) src(%arg7 : memref<128x64xf32, #tpu.memory_space<vmem>>) dst(%dma_wait3A_94 : memref<128x64xf32, #tpu.memory_space<vmem_shared>>)
      tpu.yield
    }) : () -> ()
    %mul3A_22 = arith.constant 632 : i32
    %mul3A_23 = arith.muli %arg1, %mul3A_22 : i32
    %add3A_24 = arith.constant 512 : i32
    %add3A_25 = arith.addi %mul3A_23, %add3A_24 : i32
    "tpu.region"() ({
      %run_scoped3A_86 = tpu.sem_alloc : memref<!tpu.dma_semaphore, #tpu.memory_space<semaphore_mem>>
      %dma_start3A_87 = arith.constant 0 : i32
      %dma_start3A_88 = arith.constant 0 : i32
      %dma_start3A_89 = tpu.memref_slice %arg7[%dma_start3A_87, %dma_start3A_88] : memref<128x64xf32, #tpu.memory_space<vmem>> -> memref<120x64xf32, #tpu.memory_space<vmem>>
      %dma_start3A_90 = arith.constant 0 : i32
      %dma_start3A_91 = tpu.memref_slice %arg10[%add3A_25, %dma_start3A_90] : memref<10112x64xf32, #tpu.memory_space<vmem_shared>> -> memref<120x64xf32, #tpu.memory_space<vmem_shared>>
      %dma_start3A_92 = arith.constant 0 : i32
      %dma_start3A_93 = tpu.memref_slice %arg10[%add3A_25, %dma_start3A_92] : memref<10112x64xf32, #tpu.memory_space<vmem_shared>> -> memref<120x64xf32, #tpu.memory_space<vmem_shared>>
      %dma_start3A_94 = arith.constant 0 : i32
      %dma_start3A_95 = arith.constant 0 : i32
      %dma_start3A_96 = tpu.memref_slice %arg7[%dma_start3A_94, %dma_start3A_95] : memref<128x64xf32, #tpu.memory_space<vmem>> -> memref<120x64xf32, #tpu.memory_space<vmem>>
      tpu.enqueue_dma source(%dma_start3A_96 : memref<120x64xf32, #tpu.memory_space<vmem>>) target(%dma_start3A_93 : memref<120x64xf32, #tpu.memory_space<vmem_shared>>) target_semaphore(%run_scoped3A_86 : memref<!tpu.dma_semaphore, #tpu.memory_space<semaphore_mem>>)
      %dma_wait3A_97 = arith.constant 0 : i32
      %dma_wait3A_98 = arith.constant 0 : i32
      %dma_wait3A_99 = tpu.memref_slice %arg7[%dma_wait3A_97, %dma_wait3A_98] : memref<128x64xf32, #tpu.memory_space<vmem>> -> memref<120x64xf32, #tpu.memory_space<vmem>>
      %dma_wait3A_100 = arith.constant 0 : i32
      %dma_wait3A_101 = tpu.memref_slice %arg10[%add3A_25, %dma_wait3A_100] : memref<10112x64xf32, #tpu.memory_space<vmem_shared>> -> memref<120x64xf32, #tpu.memory_space<vmem_shared>>
      %dma_wait3A_102 = arith.constant 0 : i32
      %dma_wait3A_103 = tpu.memref_slice %arg10[%add3A_25, %dma_wait3A_102] : memref<10112x64xf32, #tpu.memory_space<vmem_shared>> -> memref<120x64xf32, #tpu.memory_space<vmem_shared>>
      %dma_wait3A_104 = arith.constant 0 : i32
      %dma_wait3A_105 = arith.constant 0 : i32
      %dma_wait3A_106 = tpu.memref_slice %arg7[%dma_wait3A_104, %dma_wait3A_105] : memref<128x64xf32, #tpu.memory_space<vmem>> -> memref<120x64xf32, #tpu.memory_space<vmem>>
      tpu.wait_dma2 semaphore(%run_scoped3A_86 : memref<!tpu.dma_semaphore, #tpu.memory_space<semaphore_mem>>) src(%dma_wait3A_106 : memref<120x64xf32, #tpu.memory_space<vmem>>) dst(%dma_wait3A_103 : memref<120x64xf32, #tpu.memory_space<vmem_shared>>)
      tpu.yield
    }) : () -> ()
    %barrier3A = arith.constant 0 : index
    tpu.barrier barrier_id(%barrier3A)
    %mul3A_26 = arith.constant 2 : i32
    %mul3A_27 = arith.muli %mul3A_26, %arg1 : i32
    %add3A_28 = arith.constant 0 : i32
    %add3A_29 = arith.addi %mul3A_27, %add3A_28 : i32
    %run_scoped3A = arith.constant 0 : i32
    "tpu.region"() ({
      %run_scoped3A_86 = tpu.sem_alloc : memref<!tpu.dma_semaphore, #tpu.memory_space<semaphore_mem>>
      %dma_start3A_87 = arith.constant 0 : i32
      %dma_start3A_88 = arith.constant 0 : i32
      %dma_start3A_89 = tpu.memref_slice %arg3[%run_scoped3A, %add3A_29, %dma_start3A_87, %dma_start3A_88] : memref<2x32x79x128xi32, #tpu.memory_space<hbm>> -> memref<1x1x79x128xi32, #tpu.memory_space<hbm>>
      %dma_start3A_90 = tpu.memref_squeeze %dma_start3A_89 : memref<1x1x79x128xi32, #tpu.memory_space<hbm>> -> memref<79x128xi32, #tpu.memory_space<hbm>>
      %dma_start3A_91 = arith.constant 0 : i32
      %dma_start3A_92 = arith.constant 0 : i32
      %dma_start3A_93 = tpu.memref_slice %arg3[%run_scoped3A, %add3A_29, %dma_start3A_91, %dma_start3A_92] : memref<2x32x79x128xi32, #tpu.memory_space<hbm>> -> memref<1x1x79x128xi32, #tpu.memory_space<hbm>>
      %dma_start3A_94 = tpu.memref_squeeze %dma_start3A_93 : memref<1x1x79x128xi32, #tpu.memory_space<hbm>> -> memref<79x128xi32, #tpu.memory_space<hbm>>
      tpu.enqueue_dma source(%dma_start3A_94 : memref<79x128xi32, #tpu.memory_space<hbm>>) target(%arg5 : memref<79x128xi32, #tpu.memory_space<vmem>>) target_semaphore(%run_scoped3A_86 : memref<!tpu.dma_semaphore, #tpu.memory_space<semaphore_mem>>)
      %dma_wait3A_95 = arith.constant 0 : i32
      %dma_wait3A_96 = arith.constant 0 : i32
      %dma_wait3A_97 = tpu.memref_slice %arg3[%run_scoped3A, %add3A_29, %dma_wait3A_95, %dma_wait3A_96] : memref<2x32x79x128xi32, #tpu.memory_space<hbm>> -> memref<1x1x79x128xi32, #tpu.memory_space<hbm>>
      %dma_wait3A_98 = tpu.memref_squeeze %dma_wait3A_97 : memref<1x1x79x128xi32, #tpu.memory_space<hbm>> -> memref<79x128xi32, #tpu.memory_space<hbm>>
      %dma_wait3A_99 = arith.constant 0 : i32
      %dma_wait3A_100 = arith.constant 0 : i32
      %dma_wait3A_101 = tpu.memref_slice %arg3[%run_scoped3A, %add3A_29, %dma_wait3A_99, %dma_wait3A_100] : memref<2x32x79x128xi32, #tpu.memory_space<hbm>> -> memref<1x1x79x128xi32, #tpu.memory_space<hbm>>
      %dma_wait3A_102 = tpu.memref_squeeze %dma_wait3A_101 : memref<1x1x79x128xi32, #tpu.memory_space<hbm>> -> memref<79x128xi32, #tpu.memory_space<hbm>>
      tpu.wait_dma2 semaphore(%run_scoped3A_86 : memref<!tpu.dma_semaphore, #tpu.memory_space<semaphore_mem>>) src(%dma_wait3A_102 : memref<79x128xi32, #tpu.memory_space<hbm>>) dst(%arg5 : memref<79x128xi32, #tpu.memory_space<vmem>>)
      tpu.yield
    }) : () -> ()
    %mul3A_30 = arith.constant 2 : i32
    %mul3A_31 = arith.muli %mul3A_30, %arg1 : i32
    %add3A_32 = arith.constant 0 : i32
    %add3A_33 = arith.addi %mul3A_31, %add3A_32 : i32
    %run_scoped3A_34 = arith.constant 1 : i32
    "tpu.region"() ({
      %run_scoped3A_86 = tpu.sem_alloc : memref<!tpu.dma_semaphore, #tpu.memory_space<semaphore_mem>>
      %dma_start3A_87 = arith.constant 0 : i32
      %dma_start3A_88 = arith.constant 0 : i32
      %dma_start3A_89 = tpu.memref_slice %arg3[%run_scoped3A_34, %add3A_33, %dma_start3A_87, %dma_start3A_88] : memref<2x32x79x128xi32, #tpu.memory_space<hbm>> -> memref<1x1x79x128xi32, #tpu.memory_space<hbm>>
      %dma_start3A_90 = tpu.memref_squeeze %dma_start3A_89 : memref<1x1x79x128xi32, #tpu.memory_space<hbm>> -> memref<79x128xi32, #tpu.memory_space<hbm>>
      %dma_start3A_91 = arith.constant 0 : i32
      %dma_start3A_92 = arith.constant 0 : i32
      %dma_start3A_93 = tpu.memref_slice %arg3[%run_scoped3A_34, %add3A_33, %dma_start3A_91, %dma_start3A_92] : memref<2x32x79x128xi32, #tpu.memory_space<hbm>> -> memref<1x1x79x128xi32, #tpu.memory_space<hbm>>
      %dma_start3A_94 = tpu.memref_squeeze %dma_start3A_93 : memref<1x1x79x128xi32, #tpu.memory_space<hbm>> -> memref<79x128xi32, #tpu.memory_space<hbm>>
      tpu.enqueue_dma source(%dma_start3A_94 : memref<79x128xi32, #tpu.memory_space<hbm>>) target(%arg6 : memref<79x128xi32, #tpu.memory_space<vmem>>) target_semaphore(%run_scoped3A_86 : memref<!tpu.dma_semaphore, #tpu.memory_space<semaphore_mem>>)
      %dma_wait3A_95 = arith.constant 0 : i32
      %dma_wait3A_96 = arith.constant 0 : i32
      %dma_wait3A_97 = tpu.memref_slice %arg3[%run_scoped3A_34, %add3A_33, %dma_wait3A_95, %dma_wait3A_96] : memref<2x32x79x128xi32, #tpu.memory_space<hbm>> -> memref<1x1x79x128xi32, #tpu.memory_space<hbm>>
      %dma_wait3A_98 = tpu.memref_squeeze %dma_wait3A_97 : memref<1x1x79x128xi32, #tpu.memory_space<hbm>> -> memref<79x128xi32, #tpu.memory_space<hbm>>
      %dma_wait3A_99 = arith.constant 0 : i32
      %dma_wait3A_100 = arith.constant 0 : i32
      %dma_wait3A_101 = tpu.memref_slice %arg3[%run_scoped3A_34, %add3A_33, %dma_wait3A_99, %dma_wait3A_100] : memref<2x32x79x128xi32, #tpu.memory_space<hbm>> -> memref<1x1x79x128xi32, #tpu.memory_space<hbm>>
      %dma_wait3A_102 = tpu.memref_squeeze %dma_wait3A_101 : memref<1x1x79x128xi32, #tpu.memory_space<hbm>> -> memref<79x128xi32, #tpu.memory_space<hbm>>
      tpu.wait_dma2 semaphore(%run_scoped3A_86 : memref<!tpu.dma_semaphore, #tpu.memory_space<semaphore_mem>>) src(%dma_wait3A_102 : memref<79x128xi32, #tpu.memory_space<hbm>>) dst(%arg6 : memref<79x128xi32, #tpu.memory_space<vmem>>)
      tpu.yield
    }) : () -> ()
    %dma_start3A = arith.constant 0 : i32
    %dma_start3A_35 = arith.constant 0 : i32
    %dma_start3A_36 = tpu.memref_slice %arg5[%dma_start3A, %dma_start3A_35] : memref<79x128xi32, #tpu.memory_space<vmem>> -> memref<1x128xi32, #tpu.memory_space<vmem>>
    %dma_start3A_37 = tpu.memref_squeeze %dma_start3A_36 : memref<1x128xi32, #tpu.memory_space<vmem>> -> memref<128xi32, #tpu.memory_space<vmem>>
    %dma_start3A_38 = arith.constant 0 : i32
    %dma_start3A_39 = arith.constant 0 : i32
    %dma_start3A_40 = tpu.memref_slice %arg9[%dma_start3A_38, %dma_start3A_39] : memref<10112x64xf32, #tpu.memory_space<vmem_shared>> -> memref<10112x64xf32, #tpu.memory_space<vmem_shared>>
    tpu.enqueue_indirect_dma source(%dma_start3A_40 : memref<10112x64xf32, #tpu.memory_space<vmem_shared>>) target(%arg7 : memref<128x64xf32, #tpu.memory_space<vmem>>) offsets(%dma_start3A_37 : memref<128xi32, #tpu.memory_space<vmem>>) semaphore(%arg11 : memref<!tpu.dma_semaphore, #tpu.memory_space<semaphore_mem>>)
    %scan3A_41 = arith.constant 0 : i32
    %scan3A_42 = arith.constant 0 : i32
    %scan3A_43 = arith.constant 39 : i32
    %scan3A_44 = arith.addi %scan3A_42, %scan3A_43 : i32
    %scan3A_45 = arith.constant 1 : i32
    scf.for %scan3A_86 = %scan3A_42 to %scan3A_44 step %scan3A_45  : i32 {
      %mul3A_87 = arith.constant 2 : i32
      %mul3A_88 = arith.muli %mul3A_87, %scan3A_86 : i32
      %dma_wait3A_89 = arith.constant 0 : i32
      %dma_wait3A_90 = tpu.memref_slice %arg5[%mul3A_88, %dma_wait3A_89] : memref<79x128xi32, #tpu.memory_space<vmem>> -> memref<1x128xi32, #tpu.memory_space<vmem>>
      %dma_wait3A_91 = tpu.memref_squeeze %dma_wait3A_90 : memref<1x128xi32, #tpu.memory_space<vmem>> -> memref<128xi32, #tpu.memory_space<vmem>>
      %dma_wait3A_92 = arith.constant 0 : i32
      %dma_wait3A_93 = arith.constant 0 : i32
      %dma_wait3A_94 = tpu.memref_slice %arg9[%dma_wait3A_92, %dma_wait3A_93] : memref<10112x64xf32, #tpu.memory_space<vmem_shared>> -> memref<10112x64xf32, #tpu.memory_space<vmem_shared>>
      tpu.wait_indirect_dma semaphore(%arg11 : memref<!tpu.dma_semaphore, #tpu.memory_space<semaphore_mem>>) src(%dma_wait3A_94 : memref<10112x64xf32, #tpu.memory_space<vmem_shared>>) dst(%arg7 : memref<128x64xf32, #tpu.memory_space<vmem>>)
      %add3A_95 = arith.constant 1 : i32
      %add3A_96 = arith.addi %mul3A_88, %add3A_95 : i32
      %dma_start3A_97 = arith.constant 0 : i32
      %dma_start3A_98 = tpu.memref_slice %arg5[%add3A_96, %dma_start3A_97] : memref<79x128xi32, #tpu.memory_space<vmem>> -> memref<1x128xi32, #tpu.memory_space<vmem>>
      %dma_start3A_99 = tpu.memref_squeeze %dma_start3A_98 : memref<1x128xi32, #tpu.memory_space<vmem>> -> memref<128xi32, #tpu.memory_space<vmem>>
      %dma_start3A_100 = arith.constant 0 : i32
      %dma_start3A_101 = arith.constant 0 : i32
      %dma_start3A_102 = tpu.memref_slice %arg9[%dma_start3A_100, %dma_start3A_101] : memref<10112x64xf32, #tpu.memory_space<vmem_shared>> -> memref<10112x64xf32, #tpu.memory_space<vmem_shared>>
      tpu.enqueue_indirect_dma source(%dma_start3A_102 : memref<10112x64xf32, #tpu.memory_space<vmem_shared>>) target(%arg8 : memref<128x64xf32, #tpu.memory_space<vmem>>) offsets(%dma_start3A_99 : memref<128xi32, #tpu.memory_space<vmem>>) semaphore(%arg12 : memref<!tpu.dma_semaphore, #tpu.memory_space<semaphore_mem>>)
      "tpu.region"() ({
        %run_scoped3A_117 = tpu.sem_alloc : memref<!tpu.dma_semaphore, #tpu.memory_space<semaphore_mem>>
        %dma_start3A_118 = arith.constant 0 : i32
        %dma_start3A_119 = tpu.memref_slice %arg6[%mul3A_88, %dma_start3A_118] : memref<79x128xi32, #tpu.memory_space<vmem>> -> memref<1x128xi32, #tpu.memory_space<vmem>>
        %dma_start3A_120 = tpu.memref_squeeze %dma_start3A_119 : memref<1x128xi32, #tpu.memory_space<vmem>> -> memref<128xi32, #tpu.memory_space<vmem>>
        %dma_start3A_121 = arith.constant 0 : i32
        %dma_start3A_122 = arith.constant 0 : i32
        %dma_start3A_123 = tpu.memref_slice %arg10[%dma_start3A_121, %dma_start3A_122] : memref<10112x64xf32, #tpu.memory_space<vmem_shared>> -> memref<10112x64xf32, #tpu.memory_space<vmem_shared>>
        tpu.enqueue_indirect_dma source(%arg7 : memref<128x64xf32, #tpu.memory_space<vmem>>) target(%dma_start3A_123 : memref<10112x64xf32, #tpu.memory_space<vmem_shared>>) offsets(%dma_start3A_120 : memref<128xi32, #tpu.memory_space<vmem>>) semaphore(%run_scoped3A_117 : memref<!tpu.dma_semaphore, #tpu.memory_space<semaphore_mem>>) {add = true}
        %dma_wait3A_124 = arith.constant 0 : i32
        %dma_wait3A_125 = tpu.memref_slice %arg6[%mul3A_88, %dma_wait3A_124] : memref<79x128xi32, #tpu.memory_space<vmem>> -> memref<1x128xi32, #tpu.memory_space<vmem>>
        %dma_wait3A_126 = tpu.memref_squeeze %dma_wait3A_125 : memref<1x128xi32, #tpu.memory_space<vmem>> -> memref<128xi32, #tpu.memory_space<vmem>>
        %dma_wait3A_127 = arith.constant 0 : i32
        %dma_wait3A_128 = arith.constant 0 : i32
        %dma_wait3A_129 = tpu.memref_slice %arg10[%dma_wait3A_127, %dma_wait3A_128] : memref<10112x64xf32, #tpu.memory_space<vmem_shared>> -> memref<10112x64xf32, #tpu.memory_space<vmem_shared>>
        tpu.wait_indirect_dma semaphore(%run_scoped3A_117 : memref<!tpu.dma_semaphore, #tpu.memory_space<semaphore_mem>>) src(%arg7 : memref<128x64xf32, #tpu.memory_space<vmem>>) dst(%dma_wait3A_129 : memref<10112x64xf32, #tpu.memory_space<vmem_shared>>)
        tpu.yield
      }) : () -> ()
      %mul3A_103 = arith.constant 2 : i32
      %mul3A_104 = arith.muli %mul3A_103, %scan3A_86 : i32
      %add3A_105 = arith.constant 1 : i32
      %add3A_106 = arith.addi %mul3A_104, %add3A_105 : i32
      %dma_wait3A_107 = arith.constant 0 : i32
      %dma_wait3A_108 = tpu.memref_slice %arg5[%add3A_106, %dma_wait3A_107] : memref<79x128xi32, #tpu.memory_space<vmem>> -> memref<1x128xi32, #tpu.memory_space<vmem>>
      %dma_wait3A_109 = tpu.memref_squeeze %dma_wait3A_108 : memref<1x128xi32, #tpu.memory_space<vmem>> -> memref<128xi32, #tpu.memory_space<vmem>>
      %dma_wait3A_110 = arith.constant 0 : i32
      %dma_wait3A_111 = arith.constant 0 : i32
      %dma_wait3A_112 = tpu.memref_slice %arg9[%dma_wait3A_110, %dma_wait3A_111] : memref<10112x64xf32, #tpu.memory_space<vmem_shared>> -> memref<10112x64xf32, #tpu.memory_space<vmem_shared>>
      tpu.wait_indirect_dma semaphore(%arg12 : memref<!tpu.dma_semaphore, #tpu.memory_space<semaphore_mem>>) src(%dma_wait3A_112 : memref<10112x64xf32, #tpu.memory_space<vmem_shared>>) dst(%arg8 : memref<128x64xf32, #tpu.memory_space<vmem>>)
      %add3A_113 = arith.constant 1 : i32
      %add3A_114 = arith.addi %add3A_106, %add3A_113 : i32
      %lt3A = arith.constant 79 : i32
      %lt3A_115 = arith.cmpi slt, %add3A_114, %lt3A : i32
      %convert_element_type3A = arith.extui %lt3A_115 : i1 to i32
      %cond3A = arith.constant 0 : i32
      %cond3A_116 = arith.cmpi ne, %convert_element_type3A, %cond3A : i32
      scf.if %cond3A_116 {
        %add3A_117 = arith.constant 1 : i32
        %add3A_118 = arith.addi %add3A_106, %add3A_117 : i32
        %dma_start3A_119 = arith.constant 0 : i32
        %dma_start3A_120 = tpu.memref_slice %arg5[%add3A_118, %dma_start3A_119] : memref<79x128xi32, #tpu.memory_space<vmem>> -> memref<1x128xi32, #tpu.memory_space<vmem>>
        %dma_start3A_121 = tpu.memref_squeeze %dma_start3A_120 : memref<1x128xi32, #tpu.memory_space<vmem>> -> memref<128xi32, #tpu.memory_space<vmem>>
        %dma_start3A_122 = arith.constant 0 : i32
        %dma_start3A_123 = arith.constant 0 : i32
        %dma_start3A_124 = tpu.memref_slice %arg9[%dma_start3A_122, %dma_start3A_123] : memref<10112x64xf32, #tpu.memory_space<vmem_shared>> -> memref<10112x64xf32, #tpu.memory_space<vmem_shared>>
        tpu.enqueue_indirect_dma source(%dma_start3A_124 : memref<10112x64xf32, #tpu.memory_space<vmem_shared>>) target(%arg7 : memref<128x64xf32, #tpu.memory_space<vmem>>) offsets(%dma_start3A_121 : memref<128xi32, #tpu.memory_space<vmem>>) semaphore(%arg11 : memref<!tpu.dma_semaphore, #tpu.memory_space<semaphore_mem>>)
      } else {
      }
      "tpu.region"() ({
        %run_scoped3A_117 = tpu.sem_alloc : memref<!tpu.dma_semaphore, #tpu.memory_space<semaphore_mem>>
        %dma_start3A_118 = arith.constant 0 : i32
        %dma_start3A_119 = tpu.memref_slice %arg6[%add3A_106, %dma_start3A_118] : memref<79x128xi32, #tpu.memory_space<vmem>> -> memref<1x128xi32, #tpu.memory_space<vmem>>
        %dma_start3A_120 = tpu.memref_squeeze %dma_start3A_119 : memref<1x128xi32, #tpu.memory_space<vmem>> -> memref<128xi32, #tpu.memory_space<vmem>>
        %dma_start3A_121 = arith.constant 0 : i32
        %dma_start3A_122 = arith.constant 0 : i32
        %dma_start3A_123 = tpu.memref_slice %arg10[%dma_start3A_121, %dma_start3A_122] : memref<10112x64xf32, #tpu.memory_space<vmem_shared>> -> memref<10112x64xf32, #tpu.memory_space<vmem_shared>>
        tpu.enqueue_indirect_dma source(%arg8 : memref<128x64xf32, #tpu.memory_space<vmem>>) target(%dma_start3A_123 : memref<10112x64xf32, #tpu.memory_space<vmem_shared>>) offsets(%dma_start3A_120 : memref<128xi32, #tpu.memory_space<vmem>>) semaphore(%run_scoped3A_117 : memref<!tpu.dma_semaphore, #tpu.memory_space<semaphore_mem>>) {add = true}
        %dma_wait3A_124 = arith.constant 0 : i32
        %dma_wait3A_125 = tpu.memref_slice %arg6[%add3A_106, %dma_wait3A_124] : memref<79x128xi32, #tpu.memory_space<vmem>> -> memref<1x128xi32, #tpu.memory_space<vmem>>
        %dma_wait3A_126 = tpu.memref_squeeze %dma_wait3A_125 : memref<1x128xi32, #tpu.memory_space<vmem>> -> memref<128xi32, #tpu.memory_space<vmem>>
        %dma_wait3A_127 = arith.constant 0 : i32
        %dma_wait3A_128 = arith.constant 0 : i32
        %dma_wait3A_129 = tpu.memref_slice %arg10[%dma_wait3A_127, %dma_wait3A_128] : memref<10112x64xf32, #tpu.memory_space<vmem_shared>> -> memref<10112x64xf32, #tpu.memory_space<vmem_shared>>
        tpu.wait_indirect_dma semaphore(%run_scoped3A_117 : memref<!tpu.dma_semaphore, #tpu.memory_space<semaphore_mem>>) src(%arg8 : memref<128x64xf32, #tpu.memory_space<vmem>>) dst(%dma_wait3A_129 : memref<10112x64xf32, #tpu.memory_space<vmem_shared>>)
        tpu.yield
      }) : () -> ()
    }
    %scan3A_46 = arith.constant 39 : i32
    %dma_wait3A = arith.constant 78 : i32
    %dma_wait3A_47 = arith.constant 0 : i32
    %dma_wait3A_48 = tpu.memref_slice %arg5[%dma_wait3A, %dma_wait3A_47] : memref<79x128xi32, #tpu.memory_space<vmem>> -> memref<1x128xi32, #tpu.memory_space<vmem>>
    %dma_wait3A_49 = tpu.memref_squeeze %dma_wait3A_48 : memref<1x128xi32, #tpu.memory_space<vmem>> -> memref<128xi32, #tpu.memory_space<vmem>>
    %dma_wait3A_50 = arith.constant 0 : i32
    %dma_wait3A_51 = arith.constant 0 : i32
    %dma_wait3A_52 = tpu.memref_slice %arg9[%dma_wait3A_50, %dma_wait3A_51] : memref<10112x64xf32, #tpu.memory_space<vmem_shared>> -> memref<10112x64xf32, #tpu.memory_space<vmem_shared>>
    tpu.wait_indirect_dma semaphore(%arg11 : memref<!tpu.dma_semaphore, #tpu.memory_space<semaphore_mem>>) src(%dma_wait3A_52 : memref<10112x64xf32, #tpu.memory_space<vmem_shared>>) dst(%arg7 : memref<128x64xf32, #tpu.memory_space<vmem>>)
    %run_scoped3A_53 = arith.constant 78 : i32
    "tpu.region"() ({
      %run_scoped3A_86 = tpu.sem_alloc : memref<!tpu.dma_semaphore, #tpu.memory_space<semaphore_mem>>
      %dma_start3A_87 = arith.constant 0 : i32
      %dma_start3A_88 = tpu.memref_slice %arg6[%run_scoped3A_53, %dma_start3A_87] : memref<79x128xi32, #tpu.memory_space<vmem>> -> memref<1x128xi32, #tpu.memory_space<vmem>>
      %dma_start3A_89 = tpu.memref_squeeze %dma_start3A_88 : memref<1x128xi32, #tpu.memory_space<vmem>> -> memref<128xi32, #tpu.memory_space<vmem>>
      %dma_start3A_90 = arith.constant 0 : i32
      %dma_start3A_91 = arith.constant 0 : i32
      %dma_start3A_92 = tpu.memref_slice %arg10[%dma_start3A_90, %dma_start3A_91] : memref<10112x64xf32, #tpu.memory_space<vmem_shared>> -> memref<10112x64xf32, #tpu.memory_space<vmem_shared>>
      tpu.enqueue_indirect_dma source(%arg7 : memref<128x64xf32, #tpu.memory_space<vmem>>) target(%dma_start3A_92 : memref<10112x64xf32, #tpu.memory_space<vmem_shared>>) offsets(%dma_start3A_89 : memref<128xi32, #tpu.memory_space<vmem>>) semaphore(%run_scoped3A_86 : memref<!tpu.dma_semaphore, #tpu.memory_space<semaphore_mem>>) {add = true}
      %dma_wait3A_93 = arith.constant 0 : i32
      %dma_wait3A_94 = tpu.memref_slice %arg6[%run_scoped3A_53, %dma_wait3A_93] : memref<79x128xi32, #tpu.memory_space<vmem>> -> memref<1x128xi32, #tpu.memory_space<vmem>>
      %dma_wait3A_95 = tpu.memref_squeeze %dma_wait3A_94 : memref<1x128xi32, #tpu.memory_space<vmem>> -> memref<128xi32, #tpu.memory_space<vmem>>
      %dma_wait3A_96 = arith.constant 0 : i32
      %dma_wait3A_97 = arith.constant 0 : i32
      %dma_wait3A_98 = tpu.memref_slice %arg10[%dma_wait3A_96, %dma_wait3A_97] : memref<10112x64xf32, #tpu.memory_space<vmem_shared>> -> memref<10112x64xf32, #tpu.memory_space<vmem_shared>>
      tpu.wait_indirect_dma semaphore(%run_scoped3A_86 : memref<!tpu.dma_semaphore, #tpu.memory_space<semaphore_mem>>) src(%arg7 : memref<128x64xf32, #tpu.memory_space<vmem>>) dst(%dma_wait3A_98 : memref<10112x64xf32, #tpu.memory_space<vmem_shared>>)
      tpu.yield
    }) : () -> ()
    %mul3A_54 = arith.constant 2 : i32
    %mul3A_55 = arith.muli %mul3A_54, %arg1 : i32
    %add3A_56 = arith.constant 1 : i32
    %add3A_57 = arith.addi %mul3A_55, %add3A_56 : i32
    %run_scoped3A_58 = arith.constant 0 : i32
    "tpu.region"() ({
      %run_scoped3A_86 = tpu.sem_alloc : memref<!tpu.dma_semaphore, #tpu.memory_space<semaphore_mem>>
      %dma_start3A_87 = arith.constant 0 : i32
      %dma_start3A_88 = arith.constant 0 : i32
      %dma_start3A_89 = tpu.memref_slice %arg3[%run_scoped3A_58, %add3A_57, %dma_start3A_87, %dma_start3A_88] : memref<2x32x79x128xi32, #tpu.memory_space<hbm>> -> memref<1x1x79x128xi32, #tpu.memory_space<hbm>>
      %dma_start3A_90 = tpu.memref_squeeze %dma_start3A_89 : memref<1x1x79x128xi32, #tpu.memory_space<hbm>> -> memref<79x128xi32, #tpu.memory_space<hbm>>
      %dma_start3A_91 = arith.constant 0 : i32
      %dma_start3A_92 = arith.constant 0 : i32
      %dma_start3A_93 = tpu.memref_slice %arg3[%run_scoped3A_58, %add3A_57, %dma_start3A_91, %dma_start3A_92] : memref<2x32x79x128xi32, #tpu.memory_space<hbm>> -> memref<1x1x79x128xi32, #tpu.memory_space<hbm>>
      %dma_start3A_94 = tpu.memref_squeeze %dma_start3A_93 : memref<1x1x79x128xi32, #tpu.memory_space<hbm>> -> memref<79x128xi32, #tpu.memory_space<hbm>>
      tpu.enqueue_dma source(%dma_start3A_94 : memref<79x128xi32, #tpu.memory_space<hbm>>) target(%arg5 : memref<79x128xi32, #tpu.memory_space<vmem>>) target_semaphore(%run_scoped3A_86 : memref<!tpu.dma_semaphore, #tpu.memory_space<semaphore_mem>>)
      %dma_wait3A_95 = arith.constant 0 : i32
      %dma_wait3A_96 = arith.constant 0 : i32
      %dma_wait3A_97 = tpu.memref_slice %arg3[%run_scoped3A_58, %add3A_57, %dma_wait3A_95, %dma_wait3A_96] : memref<2x32x79x128xi32, #tpu.memory_space<hbm>> -> memref<1x1x79x128xi32, #tpu.memory_space<hbm>>
      %dma_wait3A_98 = tpu.memref_squeeze %dma_wait3A_97 : memref<1x1x79x128xi32, #tpu.memory_space<hbm>> -> memref<79x128xi32, #tpu.memory_space<hbm>>
      %dma_wait3A_99 = arith.constant 0 : i32
      %dma_wait3A_100 = arith.constant 0 : i32
      %dma_wait3A_101 = tpu.memref_slice %arg3[%run_scoped3A_58, %add3A_57, %dma_wait3A_99, %dma_wait3A_100] : memref<2x32x79x128xi32, #tpu.memory_space<hbm>> -> memref<1x1x79x128xi32, #tpu.memory_space<hbm>>
      %dma_wait3A_102 = tpu.memref_squeeze %dma_wait3A_101 : memref<1x1x79x128xi32, #tpu.memory_space<hbm>> -> memref<79x128xi32, #tpu.memory_space<hbm>>
      tpu.wait_dma2 semaphore(%run_scoped3A_86 : memref<!tpu.dma_semaphore, #tpu.memory_space<semaphore_mem>>) src(%dma_wait3A_102 : memref<79x128xi32, #tpu.memory_space<hbm>>) dst(%arg5 : memref<79x128xi32, #tpu.memory_space<vmem>>)
      tpu.yield
    }) : () -> ()
    %mul3A_59 = arith.constant 2 : i32
    %mul3A_60 = arith.muli %mul3A_59, %arg1 : i32
    %add3A_61 = arith.constant 1 : i32
    %add3A_62 = arith.addi %mul3A_60, %add3A_61 : i32
    %run_scoped3A_63 = arith.constant 1 : i32
    "tpu.region"() ({
      %run_scoped3A_86 = tpu.sem_alloc : memref<!tpu.dma_semaphore, #tpu.memory_space<semaphore_mem>>
      %dma_start3A_87 = arith.constant 0 : i32
      %dma_start3A_88 = arith.constant 0 : i32
      %dma_start3A_89 = tpu.memref_slice %arg3[%run_scoped3A_63, %add3A_62, %dma_start3A_87, %dma_start3A_88] : memref<2x32x79x128xi32, #tpu.memory_space<hbm>> -> memref<1x1x79x128xi32, #tpu.memory_space<hbm>>
      %dma_start3A_90 = tpu.memref_squeeze %dma_start3A_89 : memref<1x1x79x128xi32, #tpu.memory_space<hbm>> -> memref<79x128xi32, #tpu.memory_space<hbm>>
      %dma_start3A_91 = arith.constant 0 : i32
      %dma_start3A_92 = arith.constant 0 : i32
      %dma_start3A_93 = tpu.memref_slice %arg3[%run_scoped3A_63, %add3A_62, %dma_start3A_91, %dma_start3A_92] : memref<2x32x79x128xi32, #tpu.memory_space<hbm>> -> memref<1x1x79x128xi32, #tpu.memory_space<hbm>>
      %dma_start3A_94 = tpu.memref_squeeze %dma_start3A_93 : memref<1x1x79x128xi32, #tpu.memory_space<hbm>> -> memref<79x128xi32, #tpu.memory_space<hbm>>
      tpu.enqueue_dma source(%dma_start3A_94 : memref<79x128xi32, #tpu.memory_space<hbm>>) target(%arg6 : memref<79x128xi32, #tpu.memory_space<vmem>>) target_semaphore(%run_scoped3A_86 : memref<!tpu.dma_semaphore, #tpu.memory_space<semaphore_mem>>)
      %dma_wait3A_95 = arith.constant 0 : i32
      %dma_wait3A_96 = arith.constant 0 : i32
      %dma_wait3A_97 = tpu.memref_slice %arg3[%run_scoped3A_63, %add3A_62, %dma_wait3A_95, %dma_wait3A_96] : memref<2x32x79x128xi32, #tpu.memory_space<hbm>> -> memref<1x1x79x128xi32, #tpu.memory_space<hbm>>
      %dma_wait3A_98 = tpu.memref_squeeze %dma_wait3A_97 : memref<1x1x79x128xi32, #tpu.memory_space<hbm>> -> memref<79x128xi32, #tpu.memory_space<hbm>>
      %dma_wait3A_99 = arith.constant 0 : i32
      %dma_wait3A_100 = arith.constant 0 : i32
      %dma_wait3A_101 = tpu.memref_slice %arg3[%run_scoped3A_63, %add3A_62, %dma_wait3A_99, %dma_wait3A_100] : memref<2x32x79x128xi32, #tpu.memory_space<hbm>> -> memref<1x1x79x128xi32, #tpu.memory_space<hbm>>
      %dma_wait3A_102 = tpu.memref_squeeze %dma_wait3A_101 : memref<1x1x79x128xi32, #tpu.memory_space<hbm>> -> memref<79x128xi32, #tpu.memory_space<hbm>>
      tpu.wait_dma2 semaphore(%run_scoped3A_86 : memref<!tpu.dma_semaphore, #tpu.memory_space<semaphore_mem>>) src(%dma_wait3A_102 : memref<79x128xi32, #tpu.memory_space<hbm>>) dst(%arg6 : memref<79x128xi32, #tpu.memory_space<vmem>>)
      tpu.yield
    }) : () -> ()
    %dma_start3A_64 = arith.constant 0 : i32
    %dma_start3A_65 = arith.constant 0 : i32
    %dma_start3A_66 = tpu.memref_slice %arg5[%dma_start3A_64, %dma_start3A_65] : memref<79x128xi32, #tpu.memory_space<vmem>> -> memref<1x128xi32, #tpu.memory_space<vmem>>
    %dma_start3A_67 = tpu.memref_squeeze %dma_start3A_66 : memref<1x128xi32, #tpu.memory_space<vmem>> -> memref<128xi32, #tpu.memory_space<vmem>>
    %dma_start3A_68 = arith.constant 0 : i32
    %dma_start3A_69 = arith.constant 0 : i32
    %dma_start3A_70 = tpu.memref_slice %arg9[%dma_start3A_68, %dma_start3A_69] : memref<10112x64xf32, #tpu.memory_space<vmem_shared>> -> memref<10112x64xf32, #tpu.memory_space<vmem_shared>>
    tpu.enqueue_indirect_dma source(%dma_start3A_70 : memref<10112x64xf32, #tpu.memory_space<vmem_shared>>) target(%arg7 : memref<128x64xf32, #tpu.memory_space<vmem>>) offsets(%dma_start3A_67 : memref<128xi32, #tpu.memory_space<vmem>>) semaphore(%arg11 : memref<!tpu.dma_semaphore, #tpu.memory_space<semaphore_mem>>)
    %scan3A_71 = arith.constant 0 : i32
    %scan3A_72 = arith.constant 0 : i32
    %scan3A_73 = arith.constant 39 : i32
    %scan3A_74 = arith.addi %scan3A_72, %scan3A_73 : i32
    %scan3A_75 = arith.constant 1 : i32
    scf.for %scan3A_86 = %scan3A_72 to %scan3A_74 step %scan3A_75  : i32 {
      %mul3A_87 = arith.constant 2 : i32
      %mul3A_88 = arith.muli %mul3A_87, %scan3A_86 : i32
      %dma_wait3A_89 = arith.constant 0 : i32
      %dma_wait3A_90 = tpu.memref_slice %arg5[%mul3A_88, %dma_wait3A_89] : memref<79x128xi32, #tpu.memory_space<vmem>> -> memref<1x128xi32, #tpu.memory_space<vmem>>
      %dma_wait3A_91 = tpu.memref_squeeze %dma_wait3A_90 : memref<1x128xi32, #tpu.memory_space<vmem>> -> memref<128xi32, #tpu.memory_space<vmem>>
      %dma_wait3A_92 = arith.constant 0 : i32
      %dma_wait3A_93 = arith.constant 0 : i32
      %dma_wait3A_94 = tpu.memref_slice %arg9[%dma_wait3A_92, %dma_wait3A_93] : memref<10112x64xf32, #tpu.memory_space<vmem_shared>> -> memref<10112x64xf32, #tpu.memory_space<vmem_shared>>
      tpu.wait_indirect_dma semaphore(%arg11 : memref<!tpu.dma_semaphore, #tpu.memory_space<semaphore_mem>>) src(%dma_wait3A_94 : memref<10112x64xf32, #tpu.memory_space<vmem_shared>>) dst(%arg7 : memref<128x64xf32, #tpu.memory_space<vmem>>)
      %add3A_95 = arith.constant 1 : i32
      %add3A_96 = arith.addi %mul3A_88, %add3A_95 : i32
      %dma_start3A_97 = arith.constant 0 : i32
      %dma_start3A_98 = tpu.memref_slice %arg5[%add3A_96, %dma_start3A_97] : memref<79x128xi32, #tpu.memory_space<vmem>> -> memref<1x128xi32, #tpu.memory_space<vmem>>
      %dma_start3A_99 = tpu.memref_squeeze %dma_start3A_98 : memref<1x128xi32, #tpu.memory_space<vmem>> -> memref<128xi32, #tpu.memory_space<vmem>>
      %dma_start3A_100 = arith.constant 0 : i32
      %dma_start3A_101 = arith.constant 0 : i32
      %dma_start3A_102 = tpu.memref_slice %arg9[%dma_start3A_100, %dma_start3A_101] : memref<10112x64xf32, #tpu.memory_space<vmem_shared>> -> memref<10112x64xf32, #tpu.memory_space<vmem_shared>>
      tpu.enqueue_indirect_dma source(%dma_start3A_102 : memref<10112x64xf32, #tpu.memory_space<vmem_shared>>) target(%arg8 : memref<128x64xf32, #tpu.memory_space<vmem>>) offsets(%dma_start3A_99 : memref<128xi32, #tpu.memory_space<vmem>>) semaphore(%arg12 : memref<!tpu.dma_semaphore, #tpu.memory_space<semaphore_mem>>)
      "tpu.region"() ({
        %run_scoped3A_117 = tpu.sem_alloc : memref<!tpu.dma_semaphore, #tpu.memory_space<semaphore_mem>>
        %dma_start3A_118 = arith.constant 0 : i32
        %dma_start3A_119 = tpu.memref_slice %arg6[%mul3A_88, %dma_start3A_118] : memref<79x128xi32, #tpu.memory_space<vmem>> -> memref<1x128xi32, #tpu.memory_space<vmem>>
        %dma_start3A_120 = tpu.memref_squeeze %dma_start3A_119 : memref<1x128xi32, #tpu.memory_space<vmem>> -> memref<128xi32, #tpu.memory_space<vmem>>
        %dma_start3A_121 = arith.constant 0 : i32
        %dma_start3A_122 = arith.constant 0 : i32
        %dma_start3A_123 = tpu.memref_slice %arg10[%dma_start3A_121, %dma_start3A_122] : memref<10112x64xf32, #tpu.memory_space<vmem_shared>> -> memref<10112x64xf32, #tpu.memory_space<vmem_shared>>
        tpu.enqueue_indirect_dma source(%arg7 : memref<128x64xf32, #tpu.memory_space<vmem>>) target(%dma_start3A_123 : memref<10112x64xf32, #tpu.memory_space<vmem_shared>>) offsets(%dma_start3A_120 : memref<128xi32, #tpu.memory_space<vmem>>) semaphore(%run_scoped3A_117 : memref<!tpu.dma_semaphore, #tpu.memory_space<semaphore_mem>>) {add = true}
        %dma_wait3A_124 = arith.constant 0 : i32
        %dma_wait3A_125 = tpu.memref_slice %arg6[%mul3A_88, %dma_wait3A_124] : memref<79x128xi32, #tpu.memory_space<vmem>> -> memref<1x128xi32, #tpu.memory_space<vmem>>
        %dma_wait3A_126 = tpu.memref_squeeze %dma_wait3A_125 : memref<1x128xi32, #tpu.memory_space<vmem>> -> memref<128xi32, #tpu.memory_space<vmem>>
        %dma_wait3A_127 = arith.constant 0 : i32
        %dma_wait3A_128 = arith.constant 0 : i32
        %dma_wait3A_129 = tpu.memref_slice %arg10[%dma_wait3A_127, %dma_wait3A_128] : memref<10112x64xf32, #tpu.memory_space<vmem_shared>> -> memref<10112x64xf32, #tpu.memory_space<vmem_shared>>
        tpu.wait_indirect_dma semaphore(%run_scoped3A_117 : memref<!tpu.dma_semaphore, #tpu.memory_space<semaphore_mem>>) src(%arg7 : memref<128x64xf32, #tpu.memory_space<vmem>>) dst(%dma_wait3A_129 : memref<10112x64xf32, #tpu.memory_space<vmem_shared>>)
        tpu.yield
      }) : () -> ()
      %mul3A_103 = arith.constant 2 : i32
      %mul3A_104 = arith.muli %mul3A_103, %scan3A_86 : i32
      %add3A_105 = arith.constant 1 : i32
      %add3A_106 = arith.addi %mul3A_104, %add3A_105 : i32
      %dma_wait3A_107 = arith.constant 0 : i32
      %dma_wait3A_108 = tpu.memref_slice %arg5[%add3A_106, %dma_wait3A_107] : memref<79x128xi32, #tpu.memory_space<vmem>> -> memref<1x128xi32, #tpu.memory_space<vmem>>
      %dma_wait3A_109 = tpu.memref_squeeze %dma_wait3A_108 : memref<1x128xi32, #tpu.memory_space<vmem>> -> memref<128xi32, #tpu.memory_space<vmem>>
      %dma_wait3A_110 = arith.constant 0 : i32
      %dma_wait3A_111 = arith.constant 0 : i32
      %dma_wait3A_112 = tpu.memref_slice %arg9[%dma_wait3A_110, %dma_wait3A_111] : memref<10112x64xf32, #tpu.memory_space<vmem_shared>> -> memref<10112x64xf32, #tpu.memory_space<vmem_shared>>
      tpu.wait_indirect_dma semaphore(%arg12 : memref<!tpu.dma_semaphore, #tpu.memory_space<semaphore_mem>>) src(%dma_wait3A_112 : memref<10112x64xf32, #tpu.memory_space<vmem_shared>>) dst(%arg8 : memref<128x64xf32, #tpu.memory_space<vmem>>)
      %add3A_113 = arith.constant 1 : i32
      %add3A_114 = arith.addi %add3A_106, %add3A_113 : i32
      %lt3A = arith.constant 79 : i32
      %lt3A_115 = arith.cmpi slt, %add3A_114, %lt3A : i32
      %convert_element_type3A = arith.extui %lt3A_115 : i1 to i32
      %cond3A = arith.constant 0 : i32
      %cond3A_116 = arith.cmpi ne, %convert_element_type3A, %cond3A : i32
      scf.if %cond3A_116 {
        %add3A_117 = arith.constant 1 : i32
        %add3A_118 = arith.addi %add3A_106, %add3A_117 : i32
        %dma_start3A_119 = arith.constant 0 : i32
        %dma_start3A_120 = tpu.memref_slice %arg5[%add3A_118, %dma_start3A_119] : memref<79x128xi32, #tpu.memory_space<vmem>> -> memref<1x128xi32, #tpu.memory_space<vmem>>
        %dma_start3A_121 = tpu.memref_squeeze %dma_start3A_120 : memref<1x128xi32, #tpu.memory_space<vmem>> -> memref<128xi32, #tpu.memory_space<vmem>>
        %dma_start3A_122 = arith.constant 0 : i32
        %dma_start3A_123 = arith.constant 0 : i32
        %dma_start3A_124 = tpu.memref_slice %arg9[%dma_start3A_122, %dma_start3A_123] : memref<10112x64xf32, #tpu.memory_space<vmem_shared>> -> memref<10112x64xf32, #tpu.memory_space<vmem_shared>>
        tpu.enqueue_indirect_dma source(%dma_start3A_124 : memref<10112x64xf32, #tpu.memory_space<vmem_shared>>) target(%arg7 : memref<128x64xf32, #tpu.memory_space<vmem>>) offsets(%dma_start3A_121 : memref<128xi32, #tpu.memory_space<vmem>>) semaphore(%arg11 : memref<!tpu.dma_semaphore, #tpu.memory_space<semaphore_mem>>)
      } else {
      }
      "tpu.region"() ({
        %run_scoped3A_117 = tpu.sem_alloc : memref<!tpu.dma_semaphore, #tpu.memory_space<semaphore_mem>>
        %dma_start3A_118 = arith.constant 0 : i32
        %dma_start3A_119 = tpu.memref_slice %arg6[%add3A_106, %dma_start3A_118] : memref<79x128xi32, #tpu.memory_space<vmem>> -> memref<1x128xi32, #tpu.memory_space<vmem>>
        %dma_start3A_120 = tpu.memref_squeeze %dma_start3A_119 : memref<1x128xi32, #tpu.memory_space<vmem>> -> memref<128xi32, #tpu.memory_space<vmem>>
        %dma_start3A_121 = arith.constant 0 : i32
        %dma_start3A_122 = arith.constant 0 : i32
        %dma_start3A_123 = tpu.memref_slice %arg10[%dma_start3A_121, %dma_start3A_122] : memref<10112x64xf32, #tpu.memory_space<vmem_shared>> -> memref<10112x64xf32, #tpu.memory_space<vmem_shared>>
        tpu.enqueue_indirect_dma source(%arg8 : memref<128x64xf32, #tpu.memory_space<vmem>>) target(%dma_start3A_123 : memref<10112x64xf32, #tpu.memory_space<vmem_shared>>) offsets(%dma_start3A_120 : memref<128xi32, #tpu.memory_space<vmem>>) semaphore(%run_scoped3A_117 : memref<!tpu.dma_semaphore, #tpu.memory_space<semaphore_mem>>) {add = true}
        %dma_wait3A_124 = arith.constant 0 : i32
        %dma_wait3A_125 = tpu.memref_slice %arg6[%add3A_106, %dma_wait3A_124] : memref<79x128xi32, #tpu.memory_space<vmem>> -> memref<1x128xi32, #tpu.memory_space<vmem>>
        %dma_wait3A_126 = tpu.memref_squeeze %dma_wait3A_125 : memref<1x128xi32, #tpu.memory_space<vmem>> -> memref<128xi32, #tpu.memory_space<vmem>>
        %dma_wait3A_127 = arith.constant 0 : i32
        %dma_wait3A_128 = arith.constant 0 : i32
        %dma_wait3A_129 = tpu.memref_slice %arg10[%dma_wait3A_127, %dma_wait3A_128] : memref<10112x64xf32, #tpu.memory_space<vmem_shared>> -> memref<10112x64xf32, #tpu.memory_space<vmem_shared>>
        tpu.wait_indirect_dma semaphore(%run_scoped3A_117 : memref<!tpu.dma_semaphore, #tpu.memory_space<semaphore_mem>>) src(%arg8 : memref<128x64xf32, #tpu.memory_space<vmem>>) dst(%dma_wait3A_129 : memref<10112x64xf32, #tpu.memory_space<vmem_shared>>)
        tpu.yield
      }) : () -> ()
    }
    %scan3A_76 = arith.constant 39 : i32
    %dma_wait3A_77 = arith.constant 78 : i32
    %dma_wait3A_78 = arith.constant 0 : i32
    %dma_wait3A_79 = tpu.memref_slice %arg5[%dma_wait3A_77, %dma_wait3A_78] : memref<79x128xi32, #tpu.memory_space<vmem>> -> memref<1x128xi32, #tpu.memory_space<vmem>>
    %dma_wait3A_80 = tpu.memref_squeeze %dma_wait3A_79 : memref<1x128xi32, #tpu.memory_space<vmem>> -> memref<128xi32, #tpu.memory_space<vmem>>
    %dma_wait3A_81 = arith.constant 0 : i32
    %dma_wait3A_82 = arith.constant 0 : i32
    %dma_wait3A_83 = tpu.memref_slice %arg9[%dma_wait3A_81, %dma_wait3A_82] : memref<10112x64xf32, #tpu.memory_space<vmem_shared>> -> memref<10112x64xf32, #tpu.memory_space<vmem_shared>>
    tpu.wait_indirect_dma semaphore(%arg11 : memref<!tpu.dma_semaphore, #tpu.memory_space<semaphore_mem>>) src(%dma_wait3A_83 : memref<10112x64xf32, #tpu.memory_space<vmem_shared>>) dst(%arg7 : memref<128x64xf32, #tpu.memory_space<vmem>>)
    %run_scoped3A_84 = arith.constant 78 : i32
    "tpu.region"() ({
      %run_scoped3A_86 = tpu.sem_alloc : memref<!tpu.dma_semaphore, #tpu.memory_space<semaphore_mem>>
      %dma_start3A_87 = arith.constant 0 : i32
      %dma_start3A_88 = tpu.memref_slice %arg6[%run_scoped3A_84, %dma_start3A_87] : memref<79x128xi32, #tpu.memory_space<vmem>> -> memref<1x128xi32, #tpu.memory_space<vmem>>
      %dma_start3A_89 = tpu.memref_squeeze %dma_start3A_88 : memref<1x128xi32, #tpu.memory_space<vmem>> -> memref<128xi32, #tpu.memory_space<vmem>>
      %dma_start3A_90 = arith.constant 0 : i32
      %dma_start3A_91 = arith.constant 0 : i32
      %dma_start3A_92 = tpu.memref_slice %arg10[%dma_start3A_90, %dma_start3A_91] : memref<10112x64xf32, #tpu.memory_space<vmem_shared>> -> memref<10112x64xf32, #tpu.memory_space<vmem_shared>>
      tpu.enqueue_indirect_dma source(%arg7 : memref<128x64xf32, #tpu.memory_space<vmem>>) target(%dma_start3A_92 : memref<10112x64xf32, #tpu.memory_space<vmem_shared>>) offsets(%dma_start3A_89 : memref<128xi32, #tpu.memory_space<vmem>>) semaphore(%run_scoped3A_86 : memref<!tpu.dma_semaphore, #tpu.memory_space<semaphore_mem>>) {add = true}
      %dma_wait3A_93 = arith.constant 0 : i32
      %dma_wait3A_94 = tpu.memref_slice %arg6[%run_scoped3A_84, %dma_wait3A_93] : memref<79x128xi32, #tpu.memory_space<vmem>> -> memref<1x128xi32, #tpu.memory_space<vmem>>
      %dma_wait3A_95 = tpu.memref_squeeze %dma_wait3A_94 : memref<1x128xi32, #tpu.memory_space<vmem>> -> memref<128xi32, #tpu.memory_space<vmem>>
      %dma_wait3A_96 = arith.constant 0 : i32
      %dma_wait3A_97 = arith.constant 0 : i32
      %dma_wait3A_98 = tpu.memref_slice %arg10[%dma_wait3A_96, %dma_wait3A_97] : memref<10112x64xf32, #tpu.memory_space<vmem_shared>> -> memref<10112x64xf32, #tpu.memory_space<vmem_shared>>
      tpu.wait_indirect_dma semaphore(%run_scoped3A_86 : memref<!tpu.dma_semaphore, #tpu.memory_space<semaphore_mem>>) src(%arg7 : memref<128x64xf32, #tpu.memory_space<vmem>>) dst(%dma_wait3A_98 : memref<10112x64xf32, #tpu.memory_space<vmem_shared>>)
      tpu.yield
    }) : () -> ()
    %barrier3A_85 = arith.constant 0 : index
    tpu.barrier barrier_id(%barrier3A_85)
    "tpu.region"() ({
      %run_scoped3A_86 = tpu.sem_alloc : memref<!tpu.dma_semaphore, #tpu.memory_space<semaphore_mem>>
      %dma_start3A_87 = arith.constant 0 : i32
      %dma_start3A_88 = tpu.memref_slice %arg4[%arg0, %mul3A_0, %dma_start3A_87] : memref<2x10112x64xf32, #tpu.memory_space<hbm>> -> memref<1x632x64xf32, #tpu.memory_space<hbm>>
      %dma_start3A_89 = tpu.memref_squeeze %dma_start3A_88 : memref<1x632x64xf32, #tpu.memory_space<hbm>> -> memref<632x64xf32, #tpu.memory_space<hbm>>
      %dma_start3A_90 = arith.constant 0 : i32
      %dma_start3A_91 = tpu.memref_slice %arg10[%mul3A_0, %dma_start3A_90] : memref<10112x64xf32, #tpu.memory_space<vmem_shared>> -> memref<632x64xf32, #tpu.memory_space<vmem_shared>>
      tpu.enqueue_dma source(%dma_start3A_91 : memref<632x64xf32, #tpu.memory_space<vmem_shared>>) target(%dma_start3A_89 : memref<632x64xf32, #tpu.memory_space<hbm>>) target_semaphore(%run_scoped3A_86 : memref<!tpu.dma_semaphore, #tpu.memory_space<semaphore_mem>>)
      %dma_wait3A_92 = arith.constant 0 : i32
      %dma_wait3A_93 = tpu.memref_slice %arg4[%arg0, %mul3A_0, %dma_wait3A_92] : memref<2x10112x64xf32, #tpu.memory_space<hbm>> -> memref<1x632x64xf32, #tpu.memory_space<hbm>>
      %dma_wait3A_94 = tpu.memref_squeeze %dma_wait3A_93 : memref<1x632x64xf32, #tpu.memory_space<hbm>> -> memref<632x64xf32, #tpu.memory_space<hbm>>
      %dma_wait3A_95 = arith.constant 0 : i32
      %dma_wait3A_96 = tpu.memref_slice %arg10[%mul3A_0, %dma_wait3A_95] : memref<10112x64xf32, #tpu.memory_space<vmem_shared>> -> memref<632x64xf32, #tpu.memory_space<vmem_shared>>
      tpu.wait_dma2 semaphore(%run_scoped3A_86 : memref<!tpu.dma_semaphore, #tpu.memory_space<semaphore_mem>>) src(%dma_wait3A_96 : memref<632x64xf32, #tpu.memory_space<vmem_shared>>) dst(%dma_wait3A_94 : memref<632x64xf32, #tpu.memory_space<hbm>>)
      tpu.yield
    }) : () -> ()
    return
  }
}

module attributes {stable_mosaic.version = 14 : i64} {
  func.func @_scale_body(%arg0: memref<10000x128xf32, #tpu.memory_space<vmem>>, %arg1: memref<32x2x10112xf32, #tpu.memory_space<vmem>>, %arg2: memref<2x10112x64xf32, #tpu.memory_space<vmem>>) attributes {dimension_semantics = [], scalar_prefetch = 0 : i64, scratch_operands = 0 : i64, tpu.core_type = #tpu.core_type<tc>} {
    %get3A = arith.constant 0 : index
    %get3A_0 = arith.constant 0 : index
    %get3A_1 = arith.constant 0 : index
    %get3A_2 = vector.load %arg1[%get3A, %get3A_0, %get3A_1] : memref<32x2x10112xf32, #tpu.memory_space<vmem>>, vector<32x1x10112xf32>
    %get3A_3 = vector.shape_cast %get3A_2 : vector<32x1x10112xf32> to vector<32x10112xf32>
    %reduce_sum3A = arith.constant dense<0.000000e+00> : vector<10112xf32>
    %reduce_sum3A_4 = vector.multi_reduction <add>, %get3A_3, %reduce_sum3A [0] : vector<32x10112xf32> to vector<10112xf32>
    %max3A = arith.constant 1.000000e+00 : f32
    %max3A_5 = vector.broadcast %max3A : f32 to vector<10112xf32>
    %max3A_6 = arith.maximumf %reduce_sum3A_4, %max3A_5 : vector<10112xf32>
    %rsqrt3A = math.rsqrt %max3A_6 : vector<10112xf32>
    %get3A_7 = arith.constant 0 : index
    %get3A_8 = arith.constant 0 : index
    %get3A_9 = vector.load %arg0[%get3A_7, %get3A_8] : memref<10000x128xf32, #tpu.memory_space<vmem>>, vector<10000x128xf32>
    %slice3A = vector.extract_strided_slice %rsqrt3A {offsets = [0], sizes = [10000], strides = [1]} : vector<10112xf32> to vector<10000xf32>
    %broadcast_in_dim3A = vector.shape_cast %slice3A : vector<10000xf32> to vector<10000x1xf32>
    %mul3A = vector.broadcast %broadcast_in_dim3A : vector<10000x1xf32> to vector<10000x128xf32>
    %mul3A_10 = arith.mulf %get3A_9, %mul3A : vector<10000x128xf32>
    %broadcast_in_dim3A_11 = arith.constant 0.000000e+00 : f32
    %broadcast_in_dim3A_12 = vector.broadcast %broadcast_in_dim3A_11 : f32 to vector<112x64xf32>
    %slice3A_13 = vector.extract_strided_slice %mul3A_10 {offsets = [0, 0], sizes = [10000, 64], strides = [1, 1]} : vector<10000x128xf32> to vector<10000x64xf32>
    %swap3A = arith.constant 0 : index
    %swap3A_14 = arith.constant 0 : index
    %swap3A_15 = arith.constant 0 : index
    %swap3A_16 = vector.load %arg2[%swap3A, %swap3A_14, %swap3A_15] : memref<2x10112x64xf32, #tpu.memory_space<vmem>>, vector<1x10000x64xf32>
    %swap3A_17 = vector.shape_cast %swap3A_16 : vector<1x10000x64xf32> to vector<10000x64xf32>
    %swap3A_18 = vector.shape_cast %slice3A_13 : vector<10000x64xf32> to vector<1x10000x64xf32>
    tpu.vector_store %arg2[%swap3A, %swap3A_14, %swap3A_15], %swap3A_18 {strides = array<i32>} : memref<2x10112x64xf32, #tpu.memory_space<vmem>>, vector<1x10000x64xf32>,
    %swap3A_19 = arith.constant 0 : index
    %swap3A_20 = arith.constant 10000 : index
    %swap3A_21 = arith.constant 0 : index
    %swap3A_22 = vector.load %arg2[%swap3A_19, %swap3A_20, %swap3A_21] : memref<2x10112x64xf32, #tpu.memory_space<vmem>>, vector<1x112x64xf32>
    %swap3A_23 = vector.shape_cast %swap3A_22 : vector<1x112x64xf32> to vector<112x64xf32>
    %swap3A_24 = vector.shape_cast %broadcast_in_dim3A_12 : vector<112x64xf32> to vector<1x112x64xf32>
    tpu.vector_store %arg2[%swap3A_19, %swap3A_20, %swap3A_21], %swap3A_24 {strides = array<i32>} : memref<2x10112x64xf32, #tpu.memory_space<vmem>>, vector<1x112x64xf32>,
    %slice3A_25 = vector.extract_strided_slice %mul3A_10 {offsets = [0, 64], sizes = [10000, 64], strides = [1, 1]} : vector<10000x128xf32> to vector<10000x64xf32>
    %swap3A_26 = arith.constant 1 : index
    %swap3A_27 = arith.constant 0 : index
    %swap3A_28 = arith.constant 0 : index
    %swap3A_29 = vector.load %arg2[%swap3A_26, %swap3A_27, %swap3A_28] : memref<2x10112x64xf32, #tpu.memory_space<vmem>>, vector<1x10000x64xf32>
    %swap3A_30 = vector.shape_cast %swap3A_29 : vector<1x10000x64xf32> to vector<10000x64xf32>
    %swap3A_31 = vector.shape_cast %slice3A_25 : vector<10000x64xf32> to vector<1x10000x64xf32>
    tpu.vector_store %arg2[%swap3A_26, %swap3A_27, %swap3A_28], %swap3A_31 {strides = array<i32>} : memref<2x10112x64xf32, #tpu.memory_space<vmem>>, vector<1x10000x64xf32>,
    %swap3A_32 = arith.constant 1 : index
    %swap3A_33 = arith.constant 10000 : index
    %swap3A_34 = arith.constant 0 : index
    %swap3A_35 = vector.load %arg2[%swap3A_32, %swap3A_33, %swap3A_34] : memref<2x10112x64xf32, #tpu.memory_space<vmem>>, vector<1x112x64xf32>
    %swap3A_36 = vector.shape_cast %swap3A_35 : vector<1x112x64xf32> to vector<112x64xf32>
    %swap3A_37 = vector.shape_cast %broadcast_in_dim3A_12 : vector<112x64xf32> to vector<1x112x64xf32>
    tpu.vector_store %arg2[%swap3A_32, %swap3A_33, %swap3A_34], %swap3A_37 {strides = array<i32>} : memref<2x10112x64xf32, #tpu.memory_space<vmem>>, vector<1x112x64xf32>,
    return
  }
}

module attributes {stable_mosaic.version = 14 : i64} {
  func.func @_fin_body(%arg0: memref<2x10112x64xf32, #tpu.memory_space<vmem>>, %arg1: memref<32x2x10112xf32, #tpu.memory_space<vmem>>, %arg2: memref<128x128xf32, #tpu.memory_space<vmem>>, %arg3: memref<128xf32, #tpu.memory_space<vmem>>, %arg4: memref<10000x128xf32, #tpu.memory_space<vmem>>) attributes {dimension_semantics = [], scalar_prefetch = 0 : i64, scratch_operands = 0 : i64, tpu.core_type = #tpu.core_type<tc>} {
    %get3A = arith.constant 0 : index
    %get3A_0 = arith.constant 0 : index
    %get3A_1 = arith.constant 0 : index
    %get3A_2 = vector.load %arg0[%get3A, %get3A_0, %get3A_1] : memref<2x10112x64xf32, #tpu.memory_space<vmem>>, vector<1x10112x64xf32>
    %get3A_3 = vector.shape_cast %get3A_2 : vector<1x10112x64xf32> to vector<10112x64xf32>
    %get3A_4 = arith.constant 0 : index
    %get3A_5 = arith.constant 0 : index
    %get3A_6 = vector.load %arg2[%get3A_4, %get3A_5] : memref<128x128xf32, #tpu.memory_space<vmem>>, vector<64x128xf32>
    %dot_general3A = arith.constant dense<0.000000e+00> : vector<10112x128xf32>
    %dot_general3A_7 = tpu.matmul %get3A_3, %get3A_6, %dot_general3A {dimension_numbers = #tpu.dot_dimension_numbers<[1], [0], [0], [1], [0, 0, 1, 1], [], []>, transpose_lhs_hint = false} : vector<10112x64xf32>, vector<64x128xf32>, vector<10112x128xf32> -> vector<10112x128xf32>
    %get3A_8 = arith.constant 1 : index
    %get3A_9 = arith.constant 0 : index
    %get3A_10 = arith.constant 0 : index
    %get3A_11 = vector.load %arg0[%get3A_8, %get3A_9, %get3A_10] : memref<2x10112x64xf32, #tpu.memory_space<vmem>>, vector<1x10112x64xf32>
    %get3A_12 = vector.shape_cast %get3A_11 : vector<1x10112x64xf32> to vector<10112x64xf32>
    %get3A_13 = arith.constant 64 : index
    %get3A_14 = arith.constant 0 : index
    %get3A_15 = vector.load %arg2[%get3A_13, %get3A_14] : memref<128x128xf32, #tpu.memory_space<vmem>>, vector<64x128xf32>
    %dot_general3A_16 = arith.constant dense<0.000000e+00> : vector<10112x128xf32>
    %dot_general3A_17 = tpu.matmul %get3A_12, %get3A_15, %dot_general3A_16 {dimension_numbers = #tpu.dot_dimension_numbers<[1], [0], [0], [1], [0, 0, 1, 1], [], []>, transpose_lhs_hint = false} : vector<10112x64xf32>, vector<64x128xf32>, vector<10112x128xf32> -> vector<10112x128xf32>
    %add3A = arith.addf %dot_general3A_7, %dot_general3A_17 : vector<10112x128xf32>
    %get3A_18 = arith.constant 0 : index
    %get3A_19 = arith.constant 1 : index
    %get3A_20 = arith.constant 0 : index
    %get3A_21 = vector.load %arg1[%get3A_18, %get3A_19, %get3A_20] : memref<32x2x10112xf32, #tpu.memory_space<vmem>>, vector<32x1x10112xf32>
    %get3A_22 = vector.shape_cast %get3A_21 : vector<32x1x10112xf32> to vector<32x10112xf32>
    %reduce_sum3A = arith.constant dense<0.000000e+00> : vector<10112xf32>
    %reduce_sum3A_23 = vector.multi_reduction <add>, %get3A_22, %reduce_sum3A [0] : vector<32x10112xf32> to vector<10112xf32>
    %max3A = arith.constant 1.000000e+00 : f32
    %max3A_24 = vector.broadcast %max3A : f32 to vector<10112xf32>
    %max3A_25 = arith.maximumf %reduce_sum3A_23, %max3A_24 : vector<10112xf32>
    %rsqrt3A = math.rsqrt %max3A_25 : vector<10112xf32>
    %slice3A = vector.extract_strided_slice %add3A {offsets = [0, 0], sizes = [10000, 128], strides = [1, 1]} : vector<10112x128xf32> to vector<10000x128xf32>
    %slice3A_26 = vector.extract_strided_slice %rsqrt3A {offsets = [0], sizes = [10000], strides = [1]} : vector<10112xf32> to vector<10000xf32>
    %broadcast_in_dim3A = vector.shape_cast %slice3A_26 : vector<10000xf32> to vector<10000x1xf32>
    %mul3A = vector.broadcast %broadcast_in_dim3A : vector<10000x1xf32> to vector<10000x128xf32>
    %mul3A_27 = arith.mulf %slice3A, %mul3A : vector<10000x128xf32>
    %get3A_28 = arith.constant 0 : index
    %get3A_29 = vector.load %arg3[%get3A_28] : memref<128xf32, #tpu.memory_space<vmem>>, vector<128xf32>
    %broadcast_in_dim3A_30 = vector.shape_cast %get3A_29 : vector<128xf32> to vector<1x128xf32>
    %add3A_31 = vector.broadcast %broadcast_in_dim3A_30 : vector<1x128xf32> to vector<10000x128xf32>
    %add3A_32 = arith.addf %mul3A_27, %add3A_31 : vector<10000x128xf32>
    %swap3A = arith.constant 0 : index
    %swap3A_33 = arith.constant 0 : index
    %swap3A_34 = vector.load %arg4[%swap3A, %swap3A_33] : memref<10000x128xf32, #tpu.memory_space<vmem>>, vector<10000x128xf32>
    tpu.vector_store %arg4[%swap3A, %swap3A_33], %add3A_32 {strides = array<i32>} : memref<10000x128xf32, #tpu.memory_space<vmem>>, vector<10000x128xf32>,
    return
  }
}

</mosaic_0001>

<sc_bundles>
// kernel: kernel.6.cloned.1.call-start
scs
__scs_entry_jumppad:
0x0: {  	(pc) =	sbr.rel $0x88, $3  }
0x1: {  	(tag) =	ssettag $0x0;
	lr =	simm.s32 $0x1  }
0x2: {  	[smem:$0x3F9D] =	sst lr;
	_ =	strace $0xD0000000  }
0x3: {  	_ = 	snop  }
0x4: {  	_ = 	snop  }
0x5: {  	_ = 	snop  }
0x6: {  	_ = 	snop  }
0x7: {  	_ = 	snop  }
__scs_overlays_trampoline_lowered:
0x8: {  	[smem:$0x3FAC] =	sst s0  }
0x9: {  	[smem:$0x3FAD] =	sst s1  }
0xa: {  	[smem:$0x3FAE] =	sst s2  }
0xb: {  	[smem:$0x3FAF] =	sst s3  }
0xc: {  	[smem:$0x3FB0] =	sst s4  }
0xd: {  	[smem:$0x3FB1] =	sst s5  }
0xe: {  	[smem:$0x3FB2] =	sst s6  }
0xf: {  	[smem:$0x3FB3] =	sst s7  }
0x10: {  	[smem:$0x3FB4] =	sst s8  }
0x11: {  	[smem:$0x3FB5] =	sst s9;
	s0 =	simm.s32 @!p0 $0x0  }
0x12: {  	s1 =	sld [smem:$0x3F9B];
	s0 =	simm.s32 @p0 $0x1  }
0x13: {  	[smem:$0x3FB6] =	sst s0;
	s0 =	simm.s32 @!p1 $0x0  }
0x14: {  	s2 =	sld [smem:$0x3F9A];
	s0 =	simm.s32 @p1 $0x1  }
0x15: {  	[smem:$0x3FB7] =	sst s0;
	s0 =	simm.s32 @!p2 $0x0  }
0x16: {  	s3 =	sld [smem:$0x3FDB];
	s0 =	simm.s32 @p2 $0x1  }
0x17: {  	s4 =	simm.s32 $0x1BF5;
	[smem:$0x3FB9] =	sst s0  }
0x18: {  	s0 =	sld [smem:$0x3F9C];
	_ =	swait.ge [sflag:s4], $0x0  }
0x19: {  	s7 =	sld [smem:$0x3F9D]  }
0x1a: {  	s8 =	sadd.s32 $0xFFFFE003, lr  }
0x1b: {  	s9 =	sadd.s32 $0xFFFFFEF7, lr;
	s5 =	simm.s32 $0xFFFFFFFF;
	p2 =	slt.u32 s8, $0xFFFFF086  }
0x1c: {  	p1 =	slt.u32 s9, $0xF7A;
	s5 =	simm.s32 @!p2 $0x0  }
0x1d: {  	s5 =	simm.s32 @p1 $0x1;
	p0 =	seq.s32 s7, s2  }
0x1e: {  	s7 =	smul.u32 @!p0 $0xF7A, s2;
	p2 =	seq.s32 @!p0 s5, $0x0  }
0x1f: {  	s9 =	smul.u32 $0xF7A, s1;
	s8 =	simm.s32 @!p0 $0x1BF5;
	p2 =	por !p2, p0  }
0x20: {  	[sflag:s8] =	ssyncset.s32 @!p0 $0xFFFFF086;
	s6 =	sadd.s32 @!p0 s3, s7;
	s7 =	simm.s32 @!p0 $0x108  }
0x21: {  	s3 =	sadd.s32 s3, s9;
	s6 =	sadd.s32 @!p0 $0x88, s6;
	s7 =	simm.s32 @p2 $0x1082  }
0x22: {  	[simem:s7], [sflag:s8] =	dma.local @!p0 [hbm:s6], $0xF7A  }
0x23: {  	s9 =	sor.u32 $0xD0000000, s2;
	s6 =	simm.s32 $0x108;
	_ =	swait.ge @!p0 [sflag:s8], $0x0  }
0x24: {  	s3 =	sadd.s32 $0x88, s3;
	s6 =	simm.s32 @!p1 $0x1082;
	[sflag:s4] =	ssyncset.s32 $0xFFFFF086  }
0x25: {  	[simem:s6], [sflag:s4] =	dma.local [hbm:s3], $0xF7A  }
0x26: {  	[smem:$0x3F9D] =	sst s1;
	(tag) =	ssettag s2;
	_ =	strace s9  }
0x27: {  	s1 =	sld [smem:$0x3FAD]  }
0x28: {  	s2 =	sld [smem:$0x3FAE]  }
0x29: {  	s4 =	sld [smem:$0x3FB0]  }
0x2a: {  	p0 =	seq.s32 s5, $0x0;
	s5 =	sld [smem:$0x3FB1]  }
0x2b: {  	s6 =	sld [smem:$0x3FB2]  }
0x2c: {  	s7 =	sld [smem:$0x3FB3]  }
0x2d: {  	s3 =	simm.s32 $0x108;
	s8 =	sld [smem:$0x3FB4]  }
0x2e: {  	s3 =	simm.s32 @!p0 $0x1082;
	s9 =	sld [smem:$0x3FB5]  }
0x2f: {  	lr =	sadd.s32 s0, s3;
	s0 =	sld [smem:$0x3FAC]  }
0x30: {  	s3 =	sld [smem:$0x3FAF]  }
0x31: {  	[smem:$0x3FB8] =	sst s10  }
0x32: {  	s10 =	sld [smem:$0x3FB6];
	_ =	sdelay $0x3  }
0x33: {  	p0 =	seq.s32 s10, $0x1;
	s10 =	sld [smem:$0x3FB8];
	_ =	sdelay $0x3  }
0x34: {  	[smem:$0x3FB8] =	sst s10  }
0x35: {  	s10 =	sld [smem:$0x3FB7];
	_ =	sdelay $0x3  }
0x36: {  	p1 =	seq.s32 s10, $0x1;
	s10 =	sld [smem:$0x3FB8];
	_ =	sdelay $0x3  }
0x37: {  	[smem:$0x3FB8] =	sst s10  }
0x38: {  	s10 =	sld [smem:$0x3FB9]  }
0x39: {  	_ = 	snop;
	(pc) =	sbr.ind lr, $3  }
0x3a: {  	_ = 	snop  }
0x3b: {  	_ = 	snop  }
0x3c: {  	p2 =	seq.s32 s10, $0x1;
	s10 =	sld [smem:$0x3FB8]  }
0x3d: {  	_ =	shalt  }
0x3e: {  	_ =	shalt  }
0x3f: {  	_ =	shalt  }
0x40: {  	_ =	shalt  }
0x41: {  	_ =	shalt  }
0x42: {  	_ =	shalt  }
0x43: {  	_ =	shalt  }
0x44: {  	_ =	shalt  }
0x45: {  	_ =	shalt  }
0x46: {  	_ =	shalt  }
0x47: {  	_ =	shalt  }
0x48: {  	_ =	shalt  }
0x49: {  	_ =	shalt  }
0x4a: {  	_ =	shalt  }
0x4b: {  	_ =	shalt  }
0x4c: {  	_ =	shalt  }
0x4d: {  	_ =	shalt  }
0x4e: {  	_ =	shalt  }
0x4f: {  	_ =	shalt  }
0x50: {  	_ =	shalt  }
0x51: {  	_ =	shalt  }
0x52: {  	_ =	shalt  }
0x53: {  	_ =	shalt  }
0x54: {  	_ =	shalt  }
0x55: {  	_ =	shalt  }
0x56: {  	_ =	shalt  }
0x57: {  	_ =	shalt  }
0x58: {  	_ =	shalt  }
0x59: {  	_ =	shalt  }
0x5a: {  	_ =	shalt  }
0x5b: {  	_ =	shalt  }
0x5c: {  	_ =	shalt  }
0x5d: {  	_ =	shalt  }
0x5e: {  	_ =	shalt  }
0x5f: {  	_ =	shalt  }
0x60: {  	_ =	shalt  }
0x61: {  	_ =	shalt  }
0x62: {  	_ =	shalt  }
0x63: {  	_ =	shalt  }
0x64: {  	_ =	shalt  }
0x65: {  	_ =	shalt  }
0x66: {  	_ =	shalt  }
0x67: {  	_ =	shalt  }
0x68: {  	_ =	shalt  }
0x69: {  	_ =	shalt  }
0x6a: {  	_ =	shalt  }
0x6b: {  	_ =	shalt  }
0x6c: {  	_ =	shalt  }
0x6d: {  	_ =	shalt  }
0x6e: {  	_ =	shalt  }
0x6f: {  	_ =	shalt  }
0x70: {  	_ =	shalt  }
0x71: {  	_ =	shalt  }
0x72: {  	_ =	shalt  }
0x73: {  	_ =	shalt  }
0x74: {  	_ =	shalt  }
0x75: {  	_ =	shalt  }
0x76: {  	_ =	shalt  }
0x77: {  	_ =	shalt  }
0x78: {  	_ =	shalt  }
0x79: {  	_ =	shalt  }
0x7a: {  	_ =	shalt  }
0x7b: {  	_ =	shalt  }
0x7c: {  	_ =	shalt  }
0x7d: {  	_ =	shalt  }
0x7e: {  	_ =	shalt  }
0x7f: {  	_ =	shalt  }
0x80: {  	_ =	shalt  }
0x81: {  	_ =	shalt  }
0x82: {  	_ =	shalt  }
0x83: {  	_ =	shalt  }
0x84: {  	_ =	shalt  }
0x85: {  	_ =	shalt  }
0x86: {  	_ =	shalt  }
0x87: {  	_ =	shalt  }
.Lfunc_end0:
.L_simem_size_0:
called_computation_lowered:
.L_overlay_start_0:
0x88: {  	s2 =	sld [smem:$0x3FD9]  }
0x89: {  	s3 =	sld [smem:$0x3FFE];
	_ =	sdelay $0x1  }
0x8a: {  	s1 =	srdreg.scid  }
0x8b: {  	s0 =	sand.u32 $0x1, s1  }
0x8c: {  	s17 =	sshll.u32 s0, $0xA;
	s2 =	sadd.s32 s3, s2  }
0x8d: {  	s2 =	sadd.s32 s2, s17  }
0x8e: {  	[smem:$0x3FC4] =	sst s2  }
0x8f: {  	_ = 	snop  }
0x90: {  	s2 =	sld [smem:$0x3FD0];
	(tm) =	ssettm $0x1  }
0x91: {  	s18 =	sld [smem:$0x3FFB];
	_ =	sdelay $0x3  }
0x92: {  	_ =	strace s18  }
0x93: {  	s3 =	sld [smem:$0x3FFC];
	_ =	sdelay $0x3  }
0x94: {  	_ =	strace s3  }
0x95: {  	s3 =	sld [smem:$0x3FFD];
	_ =	sdelay $0x3  }
0x96: {  	_ =	strace s3  }
0x97: {  	_ =	strace $0x8FFFFFFF  }
0x98: {  	s19 =	sld [smem:$0x3FDB];
	_ =	sdelay $0x1  }
0x99: {  	s4 =	simm.s32 $_scs_section_size  }
0x9a: {  	s5 =	simm.s32 $_size__tile_overlayer_lowered;
	s6 =	simm.s32 $_tile_overlayer_lowered  }
0x9b: {  	s22 =	simm.s32 $0x1BFF;
	s21 =	sshll.u32 s6, $0x1;
	s3 =	sadd.s32 s4, s19  }
0x9c: {  	s7 =	simm.s32 $0x0;
	s20 =	sshll.u32 s5, $0x1;
	s5 =	sadd.s32 s21, s3  }
0x9d: {  	[timem:s7], [sflag:s22] =	dma.local [hbm:s5], s20  }
0x9e: {  	_ =	swait.ge [sflag:s22], s20  }
0x9f: {  	s4 =	ssub.s32 $0x0, s20;
	[sflag:s22] =	ssyncset.done $0x0  }
0xa0: {  	[sflag:s22] =	ssyncadd.s32 s4;
	_ =	sdelay $0x1  }
0xa1: {  	s23 =	simm.s32 $0x1B8B  }
0xa2: {  	_ =	swait.ge [sflag:s23], $0x1  }
0xa3: {  	[sflag:s23] =	ssyncset.done $0x0  }
0xa4: {  	s25 =	simm.s32 $0x1B8E;
	s24 =	sld [smem:$0x3FFE];
	[sflag:s23] =	ssyncadd.s32 $0xFFFFFFFF  }
0xa5: {  	s26 =	simm.s32 $execute0_lowered;
	[smem:$0x3FD2] =	sst s25  }
0xa6: {  	s5 =	sshll.u32 s26, $0x1;
	_ =	strace $0x80000046;
	[dreg:$0x1] =	wrdreg $0xFFFFFFFF  }
0xa7: {  	s28 =	simm.s32 $_size_execute0_lowered;
	s3 =	sadd.s32 s3, s5;
	[dreg:$0x0] =	wrdreg $0x0  }
0xa8: {  	s5 =	sshll.u32 s28, $0x1;
	[dreg:$0x2] =	wrdreg s3  }
0xa9: {  	[dreg:$0x3] =	wrdreg s5  }
0xaa: {  	[dreg:$0x4] =	wrdreg $0xC0  }
0xab: {  	_ =	task [dreg:s7], $0x5FFFF  }
0xac: {  	[dreg:$0x1] =	wrdreg $0xFFFFFFFF  }
0xad: {  	[dreg:$0x0] =	wrdreg $0x60  }
0xae: {  	[dreg:$0x2] =	wrdreg s2  }
0xaf: {  	[dreg:$0x3] =	wrdreg s24  }
0xb0: {  	[dreg:$0x4] =	wrdreg $0x9  }
0xb1: {  	_ =	task.clear_ibuf [dreg:s7], $0x5FFFF;
	_ =	strace $0x90000046  }
0xb2: {  	s29 =	simm.s32 $0x9;
	_ =	strace $0x80000048  }
0xb3: {  	_ =	swait.ge [sflag:s29], $0x1  }
0xb4: {  	[sflag:s29] =	ssyncadd.s32 $0xFFFFFFFF  }
0xb5: {  	_ =	strace $0x90000048  }
0xb6: {  	_ =	sfence  }
0xb7: {  	s30 =	sld [smem:$0x0];
	_ =	sdelay $0x2  }
0xb8: {  	s31 =	sshll.u32 s1, $0xD;
	s1 =	sshrl.u32 s1, $0x2  }
0xb9: {  	s3 =	sand.u32 $0x4000, s31;
	s1 =	sadd.s32 s1, s30  }
0xba: {  	s0 =	sor.u32 s3, s0;
	s1 =	sshll.u32 s1, $0x11  }
0xbb: {  	s0 =	sor.u32 s1, s0  }
0xbc: {  	s0 =	sadd.s32 $0x8F2B, s0  }
0xbd: {  	[sflag:s0] =	ssyncadd.remote.s32 $0x1  }
0xbe: {  	_ =	sfence.sel $0xFFFF  }
0xbf: {  	[dreg:$0x0] =	wrdreg $0xFFFFFFFF;
	(pc) =	sbr.abs _section_cstart, $3  }
0xc0: {  	[dreg:$0x1] =	wrdreg $0xFFFFFFFF  }
0xc1: {  	_ =	task.clear_ibuf [dreg:s7], $0x2FFFF;
	_ =	strace $0x9FFFFFFF  }
0xc2: {  	(tm) =	ssettm $0x7FFFFFFF  }
0xc3: {  	_ =	shalt  }
tec
execute0_lowered:
.L_overlay_start_1:
0x0: {  	(tag) =	ssettag $0x1  }
0x1: {  	s0 =	srdreg.scid  }
0x2: {  	s3 =	sand.u32 $0x1, s0  }
0x3: {  	s4 =	rddreg [dreg:$0x0];
	s0 =	stileid.u32;
	s1 =	sshll.u32 s3, $0x4  }
0x4: {  	s5 =	rddreg [dreg:$0x1];
	s2 =	simm.s32 $0x0;
	s6 =	sor.u32 s0, s1  }
0x5: {  	s9 =	simm.s32 $0x2780;
	s10 =	simm.s32 $0x4F00;
	s7 =	smul.u32 $0x4F00, s6  }
0x6: {  	s11 =	simm.s32 $0x7680;
	[smem:$0x7FF] =	sst s2;
	s6 =	smul.u32 $0x2780, s6  }
0x7: {  	s12 =	simm.s32 $0x0;
	s3 =	ssub.s32 $0x2, s3;
	s1 =	rddreg [dreg:$0x2]  }
0x8: {  	s8 =	sshrl.u32 s3, $0x1;
	s7 =	sshrl.u32 s7, $0x3;
	s6 =	sshrl.u32 s6, $0x3  }
0x9: {  	s8 =	ssub.s32 s3, s8;
	s7 =	sadd.s32 s7, s5;
	s3 =	sadd.s32 s4, s6  }
0xa: {  	_ =	strace $0x80000047;
	s4 =	sadd.s32 $0x9E00, s3;
	s5 =	sadd.s32 $0x1400, s7  }
0xb: {  	v0 =	vimm.f32 $0.0e+00;
	v1 =	vimm.f32 $1.000000000e+00;
	s6 =	sadd.s32 $0x18F0, s7;
	s7 =	smax.u32 s8, $0x1;
	s8 =	simm.s32 $0x1  }
.LBB2_1:
0xc: {  	[tilespmem:s2], [sflag:$0x1] =	stream.linear.gather [hbm4b:s3+s2], $0x2780, $0x38;
	[tilespmem:$0x9E00] =	vst v63  }
0xd: {  	_ =	swait.ge [sflag:s8], $0x2780  }
0xe: {  	[sflag:s8] =	ssyncset.done $0x0  }
0xf: {  	[sflag:s8] =	ssyncadd.s32 $0xFFFFD880  }
0x10: {  	[tilespmem:s9], [sflag:$0x1] =	stream.linear.gather [hbm4b:s4+s2], $0x2780, $0x38;
	[tilespmem:$0x9E00] =	vst v63  }
0x11: {  	_ =	swait.ge [sflag:s8], $0x2780  }
0x12: {  	[sflag:s8] =	ssyncset.done $0x0  }
0x13: {  	s13 =	simm.s32 $0x0;
	[sflag:s8] =	ssyncadd.s32 $0xFFFFD880  }
.LBB2_2:
0x14: {  	p0 =	sne.s32 s13, $0x9DC0  }
.Ltmp0:
0x15: {  	_ = 	snop;
	(pc) =	sbr.rel @p0 .LBB2_2-.Ltmp0, $4  }
0x16: {  	_ = 	snop  }
0x17: {  	s14 =	sshra.s32 s13, $0x2  }
0x18: {  	[tilespmem:s14+$0x4F00] =	vst v0  }
0x19: {  	s13 =	sadd.s32 $0x40, s13;
	[tilespmem:s14+$0x7680] =	vst v0  }
0x1a: {  	s14 =	simm.s32 $0x0  }
0x1b: {  	s13 =	simm.s32 $0x40;
	v2 =	vld [tilespmem:s14+$0x0]  }
.LBB2_4:
0x1c: {  	p0 =	sne.s32 s13, $0x9DC0;
	v3 =	vld [tilespmem:s14+$0x2780];
	_ =	sdelay $0x4  }
.Ltmp1:
0x1d: {  	(pc) =	sbr.rel @p0 .LBB2_4-.Ltmp1, $4  }
0x1e: {  	_ = 	snop  }
0x1f: {  	[tilespmem:v2+s10+$0x0] =	vst.idx.add.f32.msk $0xffff, v1  }
0x20: {  	s14 =	sshra.s32 s13, $0x2;
	[tilespmem:v3+s11+$0x0] =	vst.idx.add.f32.msk $0xffff, v1  }
0x21: {  	s13 =	sadd.s32 $0x40, s13;
	v2 =	vld [tilespmem:s14+$0x0]  }
0x22: {  	_ = 	snop  }
0x23: {  	v3 =	vld [tilespmem:s14+$0x2780];
	_ =	sdelay $0x6  }
0x24: {  	[tilespmem:v2+s10+$0x0] =	vst.idx.add.f32.msk $0xffff, v1  }
0x25: {  	[tilespmem:v3+s11+$0x0] =	vst.idx.add.f32.msk $0xffff, v1  }
0x26: {  	[hbm4b:s5+s2] =	stream.linear.scatter [tilespmem:s10], [sflag:$0x1], $0x2780, $0x38;
	[tilespmem:$0x9E00] =	vst v63  }
0x27: {  	s12 =	sadd.s32 $0x1, s12;
	_ =	swait.ge [sflag:s8], $0x2780  }
0x28: {  	p0 =	sne.s32 s12, s7;
	[sflag:s8] =	ssyncset.done $0x0  }
.Ltmp2:
0x29: {  	[sflag:s8] =	ssyncadd.s32 $0xFFFFD880;
	(pc) =	sbr.rel @p0 .LBB2_1-.Ltmp2, $4  }
0x2a: {  	[hbm4b:s6+s2] =	stream.linear.scatter [tilespmem:s11], [sflag:$0x1], $0x2780, $0x38;
	[tilespmem:$0x9E00] =	vst v63  }
0x2b: {  	_ =	swait.ge [sflag:s8], $0x2780  }
0x2c: {  	[sflag:s8] =	ssyncset.done $0x0  }
0x2d: {  	[sflag:s8] =	ssyncadd.s32 $0xFFFFD880  }
0x2e: {  	_ =	sfence.sel $0x180000  }
0x2f: {  	[bflag:$0x0] =	sbarrier.arrive $0xFFFF  }
0x30: {  	p0 =	sne.s32 s0, $0x0;
	_ =	strace $0x90000047  }
0x31: {  	s0 =	sadd.s32 @!p0 $0x100000, s1;
	[bflag:$0x2] =	sbarrier.arrive $0xFFFF  }
0x32: {  	[sflag:s0] =	ssyncadd.tile.s32 @!p0 $0x1;
	_ =	shalt  }
.Lfunc_end2:
_tile_overlayer_lowered:
.L_overlay_start_2:
0x33: {  	(tag) =	ssettag $0x2  }
0x34: {  	s0 =	rddreg [dreg:$0x0];
	s2 =	stileid.u32  }
0x35: {  	s1 =	rddreg [dreg:$0x1];
	p0 =	sne.s32 s2, $0x0  }
0x36: {  	s3 =	rddreg [dreg:$0x2];
	[bflag:$0x3] =	sbarrier.arrive $0xFFFF;
	s2 =	simm.s32 @!p0 $0x1C01  }
0x37: {  	[timem:s3], [sflag:s2] =	dma.local @!p0 [hbm:s0], s1  }
0x38: {  	s0 =	simm.s32 @!p0 $0x1  }
0x39: {  	_ =	swait.ge @!p0 [sflag:s0], s1  }
0x3a: {  	s1 =	ssub.s32 @!p0 $0x0, s1;
	[sflag:s0] =	ssyncset.done @!p0 $0x0  }
0x3b: {  	[sflag:s0] =	ssyncadd.s32 @!p0 s1  }
0x3c: {  	[bflag:$0x3] =	sbarrier.arrive $0xFFFF  }
0x3d: {  	_ =	shalt  }

// kernel: kernel.9.cloned.1.call-start
scs
__scs_entry_jumppad:
0x0: {  	(pc) =	sbr.rel $0x88, $3  }
0x1: {  	(tag) =	ssettag $0x0;
	lr =	simm.s32 $0x1  }
0x2: {  	[smem:$0x3F9D] =	sst lr;
	_ =	strace $0xD0000000  }
0x3: {  	_ = 	snop  }
0x4: {  	_ = 	snop  }
0x5: {  	_ = 	snop  }
0x6: {  	_ = 	snop  }
0x7: {  	_ = 	snop  }
__scs_overlays_trampoline_lowered:
0x8: {  	[smem:$0x3FAC] =	sst s0  }
0x9: {  	[smem:$0x3FAD] =	sst s1  }
0xa: {  	[smem:$0x3FAE] =	sst s2  }
0xb: {  	[smem:$0x3FAF] =	sst s3  }
0xc: {  	[smem:$0x3FB0] =	sst s4  }
0xd: {  	[smem:$0x3FB1] =	sst s5  }
0xe: {  	[smem:$0x3FB2] =	sst s6  }
0xf: {  	[smem:$0x3FB3] =	sst s7  }
0x10: {  	[smem:$0x3FB4] =	sst s8  }
0x11: {  	[smem:$0x3FB5] =	sst s9;
	s0 =	simm.s32 @!p0 $0x0  }
0x12: {  	s1 =	sld [smem:$0x3F9B];
	s0 =	simm.s32 @p0 $0x1  }
0x13: {  	[smem:$0x3FB6] =	sst s0;
	s0 =	simm.s32 @!p1 $0x0  }
0x14: {  	s2 =	sld [smem:$0x3F9A];
	s0 =	simm.s32 @p1 $0x1  }
0x15: {  	[smem:$0x3FB7] =	sst s0;
	s0 =	simm.s32 @!p2 $0x0  }
0x16: {  	s3 =	sld [smem:$0x3FDB];
	s0 =	simm.s32 @p2 $0x1  }
0x17: {  	s4 =	simm.s32 $0x1BF5;
	[smem:$0x3FB9] =	sst s0  }
0x18: {  	s0 =	sld [smem:$0x3F9C];
	_ =	swait.ge [sflag:s4], $0x0  }
0x19: {  	s7 =	sld [smem:$0x3F9D]  }
0x1a: {  	s8 =	sadd.s32 $0xFFFFE003, lr  }
0x1b: {  	s9 =	sadd.s32 $0xFFFFFEF7, lr;
	s5 =	simm.s32 $0xFFFFFFFF;
	p2 =	slt.u32 s8, $0xFFFFF086  }
0x1c: {  	p1 =	slt.u32 s9, $0xF7A;
	s5 =	simm.s32 @!p2 $0x0  }
0x1d: {  	s5 =	simm.s32 @p1 $0x1;
	p0 =	seq.s32 s7, s2  }
0x1e: {  	s7 =	smul.u32 @!p0 $0xF7A, s2;
	p2 =	seq.s32 @!p0 s5, $0x0  }
0x1f: {  	s9 =	smul.u32 $0xF7A, s1;
	s8 =	simm.s32 @!p0 $0x1BF5;
	p2 =	por !p2, p0  }
0x20: {  	[sflag:s8] =	ssyncset.s32 @!p0 $0xFFFFF086;
	s6 =	sadd.s32 @!p0 s3, s7;
	s7 =	simm.s32 @!p0 $0x108  }
0x21: {  	s3 =	sadd.s32 s3, s9;
	s6 =	sadd.s32 @!p0 $0x88, s6;
	s7 =	simm.s32 @p2 $0x1082  }
0x22: {  	[simem:s7], [sflag:s8] =	dma.local @!p0 [hbm:s6], $0xF7A  }
0x23: {  	s9 =	sor.u32 $0xD0000000, s2;
	s6 =	simm.s32 $0x108;
	_ =	swait.ge @!p0 [sflag:s8], $0x0  }
0x24: {  	s3 =	sadd.s32 $0x88, s3;
	s6 =	simm.s32 @!p1 $0x1082;
	[sflag:s4] =	ssyncset.s32 $0xFFFFF086  }
0x25: {  	[simem:s6], [sflag:s4] =	dma.local [hbm:s3], $0xF7A  }
0x26: {  	[smem:$0x3F9D] =	sst s1;
	(tag) =	ssettag s2;
	_ =	strace s9  }
0x27: {  	s1 =	sld [smem:$0x3FAD]  }
0x28: {  	s2 =	sld [smem:$0x3FAE]  }
0x29: {  	s4 =	sld [smem:$0x3FB0]  }
0x2a: {  	p0 =	seq.s32 s5, $0x0;
	s5 =	sld [smem:$0x3FB1]  }
0x2b: {  	s6 =	sld [smem:$0x3FB2]  }
0x2c: {  	s7 =	sld [smem:$0x3FB3]  }
0x2d: {  	s3 =	simm.s32 $0x108;
	s8 =	sld [smem:$0x3FB4]  }
0x2e: {  	s3 =	simm.s32 @!p0 $0x1082;
	s9 =	sld [smem:$0x3FB5]  }
0x2f: {  	lr =	sadd.s32 s0, s3;
	s0 =	sld [smem:$0x3FAC]  }
0x30: {  	s3 =	sld [smem:$0x3FAF]  }
0x31: {  	[smem:$0x3FB8] =	sst s10  }
0x32: {  	s10 =	sld [smem:$0x3FB6];
	_ =	sdelay $0x3  }
0x33: {  	p0 =	seq.s32 s10, $0x1;
	s10 =	sld [smem:$0x3FB8];
	_ =	sdelay $0x3  }
0x34: {  	[smem:$0x3FB8] =	sst s10  }
0x35: {  	s10 =	sld [smem:$0x3FB7];
	_ =	sdelay $0x3  }
0x36: {  	p1 =	seq.s32 s10, $0x1;
	s10 =	sld [smem:$0x3FB8];
	_ =	sdelay $0x3  }
0x37: {  	[smem:$0x3FB8] =	sst s10  }
0x38: {  	s10 =	sld [smem:$0x3FB9]  }
0x39: {  	_ = 	snop;
	(pc) =	sbr.ind lr, $3  }
0x3a: {  	_ = 	snop  }
0x3b: {  	_ = 	snop  }
0x3c: {  	p2 =	seq.s32 s10, $0x1;
	s10 =	sld [smem:$0x3FB8]  }
0x3d: {  	_ =	shalt  }
0x3e: {  	_ =	shalt  }
0x3f: {  	_ =	shalt  }
0x40: {  	_ =	shalt  }
0x41: {  	_ =	shalt  }
0x42: {  	_ =	shalt  }
0x43: {  	_ =	shalt  }
0x44: {  	_ =	shalt  }
0x45: {  	_ =	shalt  }
0x46: {  	_ =	shalt  }
0x47: {  	_ =	shalt  }
0x48: {  	_ =	shalt  }
0x49: {  	_ =	shalt  }
0x4a: {  	_ =	shalt  }
0x4b: {  	_ =	shalt  }
0x4c: {  	_ =	shalt  }
0x4d: {  	_ =	shalt  }
0x4e: {  	_ =	shalt  }
0x4f: {  	_ =	shalt  }
0x50: {  	_ =	shalt  }
0x51: {  	_ =	shalt  }
0x52: {  	_ =	shalt  }
0x53: {  	_ =	shalt  }
0x54: {  	_ =	shalt  }
0x55: {  	_ =	shalt  }
0x56: {  	_ =	shalt  }
0x57: {  	_ =	shalt  }
0x58: {  	_ =	shalt  }
0x59: {  	_ =	shalt  }
0x5a: {  	_ =	shalt  }
0x5b: {  	_ =	shalt  }
0x5c: {  	_ =	shalt  }
0x5d: {  	_ =	shalt  }
0x5e: {  	_ =	shalt  }
0x5f: {  	_ =	shalt  }
0x60: {  	_ =	shalt  }
0x61: {  	_ =	shalt  }
0x62: {  	_ =	shalt  }
0x63: {  	_ =	shalt  }
0x64: {  	_ =	shalt  }
0x65: {  	_ =	shalt  }
0x66: {  	_ =	shalt  }
0x67: {  	_ =	shalt  }
0x68: {  	_ =	shalt  }
0x69: {  	_ =	shalt  }
0x6a: {  	_ =	shalt  }
0x6b: {  	_ =	shalt  }
0x6c: {  	_ =	shalt  }
0x6d: {  	_ =	shalt  }
0x6e: {  	_ =	shalt  }
0x6f: {  	_ =	shalt  }
0x70: {  	_ =	shalt  }
0x71: {  	_ =	shalt  }
0x72: {  	_ =	shalt  }
0x73: {  	_ =	shalt  }
0x74: {  	_ =	shalt  }
0x75: {  	_ =	shalt  }
0x76: {  	_ =	shalt  }
0x77: {  	_ =	shalt  }
0x78: {  	_ =	shalt  }
0x79: {  	_ =	shalt  }
0x7a: {  	_ =	shalt  }
0x7b: {  	_ =	shalt  }
0x7c: {  	_ =	shalt  }
0x7d: {  	_ =	shalt  }
0x7e: {  	_ =	shalt  }
0x7f: {  	_ =	shalt  }
0x80: {  	_ =	shalt  }
0x81: {  	_ =	shalt  }
0x82: {  	_ =	shalt  }
0x83: {  	_ =	shalt  }
0x84: {  	_ =	shalt  }
0x85: {  	_ =	shalt  }
0x86: {  	_ =	shalt  }
0x87: {  	_ =	shalt  }
.Lfunc_end0:
.L_simem_size_0:
called_computation.1_lowered:
.L_overlay_start_0:
0x88: {  	s2 =	sld [smem:$0x3FD9]  }
0x89: {  	s3 =	sld [smem:$0x3FFE];
	_ =	sdelay $0x1  }
0x8a: {  	s1 =	srdreg.scid  }
0x8b: {  	s0 =	sand.u32 $0x1, s1  }
0x8c: {  	s17 =	sshll.u32 s0, $0xA;
	s2 =	sadd.s32 s3, s2  }
0x8d: {  	s2 =	sadd.s32 s2, s17  }
0x8e: {  	[smem:$0x3FC4] =	sst s2  }
0x8f: {  	_ = 	snop  }
0x90: {  	s2 =	sld [smem:$0x3FD0];
	(tm) =	ssettm $0x1  }
0x91: {  	s18 =	sld [smem:$0x3FFB];
	_ =	sdelay $0x3  }
0x92: {  	_ =	strace s18  }
0x93: {  	s3 =	sld [smem:$0x3FFC];
	_ =	sdelay $0x3  }
0x94: {  	_ =	strace s3  }
0x95: {  	s3 =	sld [smem:$0x3FFD];
	_ =	sdelay $0x3  }
0x96: {  	_ =	strace s3  }
0x97: {  	_ =	strace $0x8FFFFFFF  }
0x98: {  	s19 =	sld [smem:$0x3FDB];
	_ =	sdelay $0x1  }
0x99: {  	s4 =	simm.s32 $_scs_section_size  }
0x9a: {  	s5 =	simm.s32 $_size__tile_overlayer_lowered;
	s6 =	simm.s32 $_tile_overlayer_lowered  }
0x9b: {  	s22 =	simm.s32 $0x1BFF;
	s21 =	sshll.u32 s6, $0x1;
	s3 =	sadd.s32 s4, s19  }
0x9c: {  	s7 =	simm.s32 $0x0;
	s20 =	sshll.u32 s5, $0x1;
	s5 =	sadd.s32 s21, s3  }
0x9d: {  	[timem:s7], [sflag:s22] =	dma.local [hbm:s5], s20  }
0x9e: {  	_ =	swait.ge [sflag:s22], s20  }
0x9f: {  	s4 =	ssub.s32 $0x0, s20;
	[sflag:s22] =	ssyncset.done $0x0  }
0xa0: {  	[sflag:s22] =	ssyncadd.s32 s4;
	_ =	sdelay $0x1  }
0xa1: {  	s23 =	simm.s32 $0x1B8B  }
0xa2: {  	_ =	swait.ge [sflag:s23], $0x1  }
0xa3: {  	[sflag:s23] =	ssyncset.done $0x0  }
0xa4: {  	s25 =	simm.s32 $0x1B8E;
	s24 =	sld [smem:$0x3FFE];
	[sflag:s23] =	ssyncadd.s32 $0xFFFFFFFF  }
0xa5: {  	s26 =	simm.s32 $execute0_lowered;
	[smem:$0x3FD2] =	sst s25  }
0xa6: {  	s5 =	sshll.u32 s26, $0x1;
	_ =	strace $0x80000049;
	[dreg:$0x1] =	wrdreg $0xFFFFFFFF  }
0xa7: {  	s28 =	simm.s32 $_size_execute0_lowered;
	s3 =	sadd.s32 s3, s5;
	[dreg:$0x0] =	wrdreg $0x0  }
0xa8: {  	s5 =	sshll.u32 s28, $0x1;
	[dreg:$0x2] =	wrdreg s3  }
0xa9: {  	[dreg:$0x3] =	wrdreg s5  }
0xaa: {  	[dreg:$0x4] =	wrdreg $0xC0  }
0xab: {  	_ =	task [dreg:s7], $0x5FFFF  }
0xac: {  	[dreg:$0x1] =	wrdreg $0xFFFFFFFF  }
0xad: {  	[dreg:$0x0] =	wrdreg $0x60  }
0xae: {  	[dreg:$0x2] =	wrdreg s24  }
0xaf: {  	[dreg:$0x3] =	wrdreg s2  }
0xb0: {  	[dreg:$0x4] =	wrdreg $0x8F000  }
0xb1: {  	[dreg:$0x5] =	wrdreg $0x12D000  }
0xb2: {  	[dreg:$0x6] =	wrdreg $0x9  }
0xb3: {  	_ =	task.clear_ibuf [dreg:s7], $0x7FFFF;
	_ =	strace $0x90000049  }
0xb4: {  	s29 =	simm.s32 $0x9;
	_ =	strace $0x8000004B  }
0xb5: {  	_ =	swait.ge [sflag:s29], $0x1  }
0xb6: {  	[sflag:s29] =	ssyncadd.s32 $0xFFFFFFFF  }
0xb7: {  	_ =	strace $0x9000004B  }
0xb8: {  	_ =	sfence  }
0xb9: {  	s30 =	sld [smem:$0x0];
	_ =	sdelay $0x2  }
0xba: {  	s31 =	sshll.u32 s1, $0xD;
	s1 =	sshrl.u32 s1, $0x2  }
0xbb: {  	s3 =	sand.u32 $0x4000, s31;
	s1 =	sadd.s32 s1, s30  }
0xbc: {  	s0 =	sor.u32 s3, s0;
	s1 =	sshll.u32 s1, $0x11  }
0xbd: {  	s0 =	sor.u32 s1, s0  }
0xbe: {  	s0 =	sadd.s32 $0x8F2B, s0  }
0xbf: {  	[sflag:s0] =	ssyncadd.remote.s32 $0x1  }
0xc0: {  	_ =	sfence.sel $0xFFFF  }
0xc1: {  	[dreg:$0x0] =	wrdreg $0xFFFFFFFF;
	(pc) =	sbr.abs _section_cstart, $3  }
0xc2: {  	[dreg:$0x1] =	wrdreg $0xFFFFFFFF  }
0xc3: {  	_ =	task.clear_ibuf [dreg:s7], $0x2FFFF;
	_ =	strace $0x9FFFFFFF  }
0xc4: {  	(tm) =	ssettm $0x7FFFFFFF  }
0xc5: {  	_ =	shalt  }
tec
execute0_lowered:
.L_overlay_start_1:
0x0: {  	(tag) =	ssettag $0x1  }
0x1: {  	s5 =	rddreg [dreg:$0x0]  }
0x2: {  	s12 =	rddreg [dreg:$0x1]  }
0x3: {  	s0 =	srdreg.scid;
	s2 =	rddreg [dreg:$0x2]  }
0x4: {  	s3 =	rddreg [dreg:$0x3];
	s4 =	simm.s32 $0x0;
	s19 =	simm.s32 $0x3  }
0x5: {  	s20 =	simm.s32 $0x4F00;
	s21 =	simm.s32 $0x2780;
	s22 =	simm.s32 $0x80  }
0x6: {  	s23 =	simm.s32 $0x1;
	s6 =	sand.u32 $0x1, s0;
	s0 =	stileid.u32  }
0x7: {  	s24 =	simm.s32 $0x6F00;
	[smem:$0x7FF] =	sst s4;
	s7 =	smul.u32 $0x9E000, s6  }
0x8: {  	s28 =	simm.s32 $0x0;
	s8 =	smul.u32 $0x9E00, s0;
	_ =	strace $0x8000004A  }
0x9: {  	s25 =	ssub.s32 $0x2, s6;
	s30 =	smul.u32 $0x27800, s0;
	s31 =	sshll.u32 s0, $0x6  }
0xa: {  	s10 =	smul.u32 $0x4F00, s0;
	s29 =	sshrl.u32 s25, $0x1;
	s9 =	sshrl.u32 s7, $0x3  }
0xb: {  	s7 =	sadd.s32 s8, s7;
	s26 =	sshrl.u32 s8, $0x3;
	s17 =	ssub.s32 s25, s29  }
0xc: {  	s18 =	sadd.s32 s8, s2;
	s13 =	sshrl.u32 s10, $0x3;
	s25 =	simm.s32 $0x2  }
0xd: {  	s9 =	sadd.s32 s9, s5;
	s7 =	sshrl.u32 s7, $0x3;
	s12 =	sadd.s32 s12, s13  }
0xe: {  	s17 =	smax.u32 s17, $0x1;
	s18 =	sshrl.u32 s18, $0x3;
	s16 =	sadd.s32 s7, s5  }
0xf: {  	s6 =	sadd.s32 s26, s9;
	s9 =	sshrl.u32 s30, $0x2;
	s7 =	sadd.s32 s8, s3  }
0x10: {  	s13 =	sadd.s32 $0x9E00, s12;
	s14 =	sadd.s32 $0x4F0, s12;
	s15 =	sadd.s32 $0xA2F0, s12  }
0x11: {  	s26 =	simm.s32 $0x4E80;
	s5 =	sadd.s32 $0x1400, s6;
	s11 =	sadd.s32 s9, s3  }
0x12: {  	s6 =	sor.u32 $0x1C03, s31;
	s16 =	sadd.s32 $0x28C00, s16;
	s8 =	sadd.s32 $0x2000, s11  }
0x13: {  	v0 =	vimm.f32 $0.0e+00;
	s9 =	sadd.s32 $0x4000, s11;
	s10 =	sadd.s32 $0x6000, s11;
	s11 =	sadd.s32 $0x8000, s11  }
.LBB2_1:
0x14: {  	[spmem:s18], [sflag:s6] =	dma.local [hbm:s5], $0x13C0  }
0x15: {  	s29 =	sand.u32 $0x7F00, s4;
	s30 =	sand.u32 $0x30, s4;
	_ =	swait.ge [sflag:s19], $0x13C0  }
0x16: {  	s31 =	sshrl.u32 s29, $0x2;
	s29 =	simm.s32 $0x40;
	[sflag:s19] =	ssyncset.done $0x0  }
0x17: {  	s31 =	sor.u32 s30, s31;
	s30 =	simm.s32 $0x0;
	[sflag:s19] =	ssyncadd.s32 $0xFFFFEC40  }
.LBB2_2:
0x18: {  	p0 =	sne.s32 s29, $0x7FC0  }
0x19: {  	[tilespmem:s31+$0x4F00] =	vst v0;
	s30 =	sadd.s32 $0x10, s30;
	s31 =	smov.u32 s29;
	s29 =	sadd.s32 $0x40, s29  }
.Ltmp0:
0x1a: {  	(pc) =	sbr.rel @p0 .LBB2_2-.Ltmp0, $4  }
0x1b: {  	_ = 	snop  }
0x1c: {  	s31 =	sand.u32 $0x7F00, s31  }
0x1d: {  	s1 =	sand.u32 $0x30, s30;
	s31 =	sshrl.u32 s31, $0x2  }
0x1e: {  	s31 =	sor.u32 s1, s31  }
0x1f: {  	[tilespmem:s31+$0x4F00] =	vst v0  }
0x20: {  	[spmem:s7] =	stream.linear.scatter [tilespmem:s20], [sflag:$0x3], $0x2000, $0x38;
	[tilespmem:$0x1CB00] =	vst v63  }
0x21: {  	_ =	swait.ge [sflag:s19], $0x2000  }
0x22: {  	[sflag:s19] =	ssyncset.done $0x0  }
0x23: {  	[sflag:s19] =	ssyncadd.s32 $0xFFFFE000  }
0x24: {  	[spmem:s8] =	stream.linear.scatter [tilespmem:s20], [sflag:$0x3], $0x2000, $0x38;
	[tilespmem:$0x1CB00] =	vst v63  }
0x25: {  	_ =	swait.ge [sflag:s19], $0x2000  }
0x26: {  	[sflag:s19] =	ssyncset.done $0x0  }
0x27: {  	[sflag:s19] =	ssyncadd.s32 $0xFFFFE000  }
0x28: {  	[spmem:s9] =	stream.linear.scatter [tilespmem:s20], [sflag:$0x3], $0x2000, $0x38;
	[tilespmem:$0x1CB00] =	vst v63  }
0x29: {  	_ =	swait.ge [sflag:s19], $0x2000  }
0x2a: {  	[sflag:s19] =	ssyncset.done $0x0  }
0x2b: {  	[sflag:s19] =	ssyncadd.s32 $0xFFFFE000  }
0x2c: {  	[spmem:s10] =	stream.linear.scatter [tilespmem:s20], [sflag:$0x3], $0x2000, $0x38;
	[tilespmem:$0x1CB00] =	vst v63  }
0x2d: {  	_ =	swait.ge [sflag:s19], $0x2000  }
0x2e: {  	[sflag:s19] =	ssyncset.done $0x0  }
0x2f: {  	[sflag:s19] =	ssyncadd.s32 $0xFFFFE000  }
0x30: {  	[spmem:s11] =	stream.linear.scatter [tilespmem:s20], [sflag:$0x3], $0x1E00, $0x38;
	[tilespmem:$0x1CB00] =	vst v63  }
0x31: {  	_ =	swait.ge [sflag:s19], $0x1E00  }
0x32: {  	[sflag:s19] =	ssyncset.done $0x0  }
0x33: {  	[sflag:s19] =	ssyncadd.s32 $0xFFFFE200  }
0x34: {  	s1 =	simm.s32 $0x0;
	[bflag:$0x0] =	sbarrier.arrive $0xFFFF  }
0x35: {  	[tilespmem:s1], [sflag:$0x3] =	stream.linear.gather [hbm4b:s12+s1], $0x2780, $0x38;
	[tilespmem:$0x1CB00] =	vst v63  }
0x36: {  	_ =	swait.ge [sflag:s19], $0x2780  }
0x37: {  	[sflag:s19] =	ssyncset.done $0x0  }
0x38: {  	[sflag:s19] =	ssyncadd.s32 $0xFFFFD880  }
0x39: {  	[tilespmem:s21], [sflag:$0x3] =	stream.linear.gather [hbm4b:s13+s1], $0x2780, $0x38;
	[tilespmem:$0x1CB00] =	vst v63  }
0x3a: {  	_ =	swait.ge [sflag:s19], $0x2780  }
0x3b: {  	[sflag:s19] =	ssyncset.done $0x0  }
0x3c: {  	[sflag:s19] =	ssyncadd.s32 $0xFFFFD880  }
0x3d: {  	[tilespmem:s20], [sflag:$0x1] =	stream.indirect.gather [spmem:s2], $0x40, s1, s22, $0xb8;
	[tilespmem:$0x1CB00] =	vst v63  }
0x3e: {  	_ =	swait.ge [sflag:s23], $0x2000  }
0x3f: {  	[sflag:s23] =	ssyncset.done $0x0  }
0x40: {  	s30 =	simm.s32 $0x80;
	[sflag:s23] =	ssyncadd.s32 $0xFFFFE000  }
0x41: {  	[tilespmem:s24], [sflag:$0x2] =	stream.indirect.gather [spmem:s2], $0x40, s30, s22, $0xb8;
	[tilespmem:$0x1CB00] =	vst v63  }
0x42: {  	s31 =	simm.s32 $0x2780  }
0x43: {  	[spmem:s3] =	stream.indirect.scatter.add.f32 [tilespmem:s20], [sflag:$0x3], $0x40, s31, s22, $0xb8;
	[tilespmem:$0x1CB00] =	vst v63  }
0x44: {  	_ =	swait.ge [sflag:s19], $0x2000  }
0x45: {  	[sflag:s19] =	ssyncset.done $0x0  }
0x46: {  	[sflag:s19] =	ssyncadd.s32 $0xFFFFE000  }
0x47: {  	_ =	swait.ge [sflag:s25], $0x2000  }
0x48: {  	[sflag:s25] =	ssyncset.done $0x0  }
0x49: {  	s30 =	simm.s32 $0x100;
	[sflag:s25] =	ssyncadd.s32 $0xFFFFE000  }
0x4a: {  	[tilespmem:s20], [sflag:$0x1] =	stream.indirect.gather [spmem:s2], $0x40, s30, s22, $0xb8;
	[tilespmem:$0x1CB00] =	vst v63  }
0x4b: {  	s31 =	simm.s32 $0x2800  }
0x4c: {  	[spmem:s3] =	stream.indirect.scatter.add.f32 [tilespmem:s24], [sflag:$0x3], $0x40, s31, s22, $0xb8;
	[tilespmem:$0x1CB00] =	vst v63  }
0x4d: {  	_ =	swait.ge [sflag:s19], $0x2000  }
0x4e: {  	s29 =	simm.s32 $0x400;
	[sflag:s19] =	ssyncset.done $0x0  }
.LBB2_4:
0x4f: {  	p0 =	sne.s32 s29, $0x9800  }
0x50: {  	[sflag:s19] =	ssyncadd.s32 $0xFFFFE000;
	s1 =	smov.u32 s29;
	s29 =	sadd.s32 $0x400, s29  }
0x51: {  	_ = 	snop  }
0x52: {  	_ =	swait.ge [sflag:s23], $0x2000  }
0x53: {  	s1 =	sshra.s32 s1, $0x2;
	[sflag:s23] =	ssyncset.done $0x0  }
0x54: {  	s30 =	sadd.s32 $0x80, s1;
	[sflag:s23] =	ssyncadd.s32 $0xFFFFE000  }
0x55: {  	[tilespmem:s24], [sflag:$0x2] =	stream.indirect.gather [spmem:s2], $0x40, s30, s22, $0xb8;
	[tilespmem:$0x1CB00] =	vst v63  }
0x56: {  	s30 =	sadd.s32 $0x2780, s1  }
0x57: {  	[spmem:s3] =	stream.indirect.scatter.add.f32 [tilespmem:s20], [sflag:$0x3], $0x40, s30, s22, $0xb8;
	[tilespmem:$0x1CB00] =	vst v63  }
0x58: {  	_ =	swait.ge [sflag:s19], $0x2000  }
0x59: {  	[sflag:s19] =	ssyncset.done $0x0  }
0x5a: {  	[sflag:s19] =	ssyncadd.s32 $0xFFFFE000  }
0x5b: {  	_ =	swait.ge [sflag:s25], $0x2000  }
0x5c: {  	[sflag:s25] =	ssyncset.done $0x0  }
0x5d: {  	s30 =	sadd.s32 $0x100, s1;
	[sflag:s25] =	ssyncadd.s32 $0xFFFFE000  }
0x5e: {  	[tilespmem:s20], [sflag:$0x1] =	stream.indirect.gather [spmem:s2], $0x40, s30, s22, $0xb8;
	[tilespmem:$0x1CB00] =	vst v63  }
.Ltmp1:
0x5f: {  	_ = 	snop;
	(pc) =	sbr.rel @p0 .LBB2_4-.Ltmp1, $4  }
0x60: {  	s1 =	sadd.s32 $0x2800, s1  }
0x61: {  	[spmem:s3] =	stream.indirect.scatter.add.f32 [tilespmem:s24], [sflag:$0x3], $0x40, s1, s22, $0xb8;
	[tilespmem:$0x1CB00] =	vst v63  }
0x62: {  	_ =	swait.ge [sflag:s19], $0x2000  }
0x63: {  	[sflag:s19] =	ssyncset.done $0x0  }
0x64: {  	[sflag:s19] =	ssyncadd.s32 $0xFFFFE000  }
0x65: {  	_ =	swait.ge [sflag:s23], $0x2000  }
0x66: {  	[sflag:s23] =	ssyncset.done $0x0  }
0x67: {  	[sflag:s23] =	ssyncadd.s32 $0xFFFFE000  }
0x68: {  	[spmem:s3] =	stream.indirect.scatter.add.f32 [tilespmem:s20], [sflag:$0x3], $0x40, s26, s22, $0xb8;
	[tilespmem:$0x1CB00] =	vst v63  }
0x69: {  	_ =	swait.ge [sflag:s19], $0x2000  }
0x6a: {  	[sflag:s19] =	ssyncset.done $0x0  }
0x6b: {  	s1 =	simm.s32 $0x0;
	[sflag:s19] =	ssyncadd.s32 $0xFFFFE000  }
0x6c: {  	[tilespmem:s1], [sflag:$0x3] =	stream.linear.gather [hbm4b:s14+s1], $0x2780, $0x38;
	[tilespmem:$0x1CB00] =	vst v63  }
0x6d: {  	_ =	swait.ge [sflag:s19], $0x2780  }
0x6e: {  	[sflag:s19] =	ssyncset.done $0x0  }
0x6f: {  	[sflag:s19] =	ssyncadd.s32 $0xFFFFD880  }
0x70: {  	[tilespmem:s21], [sflag:$0x3] =	stream.linear.gather [hbm4b:s15+s1], $0x2780, $0x38;
	[tilespmem:$0x1CB00] =	vst v63  }
0x71: {  	_ =	swait.ge [sflag:s19], $0x2780  }
0x72: {  	[sflag:s19] =	ssyncset.done $0x0  }
0x73: {  	[sflag:s19] =	ssyncadd.s32 $0xFFFFD880  }
0x74: {  	[tilespmem:s20], [sflag:$0x1] =	stream.indirect.gather [spmem:s2], $0x40, s1, s22, $0xb8;
	[tilespmem:$0x1CB00] =	vst v63  }
0x75: {  	_ =	swait.ge [sflag:s23], $0x2000  }
0x76: {  	[sflag:s23] =	ssyncset.done $0x0  }
0x77: {  	s30 =	simm.s32 $0x80;
	[sflag:s23] =	ssyncadd.s32 $0xFFFFE000  }
0x78: {  	[tilespmem:s24], [sflag:$0x2] =	stream.indirect.gather [spmem:s2], $0x40, s30, s22, $0xb8;
	[tilespmem:$0x1CB00] =	vst v63  }
0x79: {  	s31 =	simm.s32 $0x2780  }
0x7a: {  	[spmem:s3] =	stream.indirect.scatter.add.f32 [tilespmem:s20], [sflag:$0x3], $0x40, s31, s22, $0xb8;
	[tilespmem:$0x1CB00] =	vst v63  }
0x7b: {  	_ =	swait.ge [sflag:s19], $0x2000  }
0x7c: {  	[sflag:s19] =	ssyncset.done $0x0  }
0x7d: {  	[sflag:s19] =	ssyncadd.s32 $0xFFFFE000  }
0x7e: {  	_ =	swait.ge [sflag:s25], $0x2000  }
0x7f: {  	[sflag:s25] =	ssyncset.done $0x0  }
0x80: {  	s30 =	simm.s32 $0x100;
	[sflag:s25] =	ssyncadd.s32 $0xFFFFE000  }
0x81: {  	[tilespmem:s20], [sflag:$0x1] =	stream.indirect.gather [spmem:s2], $0x40, s30, s22, $0xb8;
	[tilespmem:$0x1CB00] =	vst v63  }
0x82: {  	s31 =	simm.s32 $0x2800  }
0x83: {  	[spmem:s3] =	stream.indirect.scatter.add.f32 [tilespmem:s24], [sflag:$0x3], $0x40, s31, s22, $0xb8;
	[tilespmem:$0x1CB00] =	vst v63  }
0x84: {  	_ =	swait.ge [sflag:s19], $0x2000  }
0x85: {  	s29 =	simm.s32 $0x400;
	[sflag:s19] =	ssyncset.done $0x0  }
.LBB2_6:
0x86: {  	p0 =	sne.s32 s29, $0x9800  }
0x87: {  	[sflag:s19] =	ssyncadd.s32 $0xFFFFE000;
	s1 =	smov.u32 s29;
	s29 =	sadd.s32 $0x400, s29  }
0x88: {  	_ = 	snop  }
0x89: {  	_ =	swait.ge [sflag:s23], $0x2000  }
0x8a: {  	s1 =	sshra.s32 s1, $0x2;
	[sflag:s23] =	ssyncset.done $0x0  }
0x8b: {  	s30 =	sadd.s32 $0x80, s1;
	[sflag:s23] =	ssyncadd.s32 $0xFFFFE000  }
0x8c: {  	[tilespmem:s24], [sflag:$0x2] =	stream.indirect.gather [spmem:s2], $0x40, s30, s22, $0xb8;
	[tilespmem:$0x1CB00] =	vst v63  }
0x8d: {  	s30 =	sadd.s32 $0x2780, s1  }
0x8e: {  	[spmem:s3] =	stream.indirect.scatter.add.f32 [tilespmem:s20], [sflag:$0x3], $0x40, s30, s22, $0xb8;
	[tilespmem:$0x1CB00] =	vst v63  }
0x8f: {  	_ =	swait.ge [sflag:s19], $0x2000  }
0x90: {  	[sflag:s19] =	ssyncset.done $0x0  }
0x91: {  	[sflag:s19] =	ssyncadd.s32 $0xFFFFE000  }
0x92: {  	_ =	swait.ge [sflag:s25], $0x2000  }
0x93: {  	[sflag:s25] =	ssyncset.done $0x0  }
0x94: {  	s30 =	sadd.s32 $0x100, s1;
	[sflag:s25] =	ssyncadd.s32 $0xFFFFE000  }
0x95: {  	[tilespmem:s20], [sflag:$0x1] =	stream.indirect.gather [spmem:s2], $0x40, s30, s22, $0xb8;
	[tilespmem:$0x1CB00] =	vst v63  }
.Ltmp2:
0x96: {  	_ = 	snop;
	(pc) =	sbr.rel @p0 .LBB2_6-.Ltmp2, $4  }
0x97: {  	s1 =	sadd.s32 $0x2800, s1  }
0x98: {  	[spmem:s3] =	stream.indirect.scatter.add.f32 [tilespmem:s24], [sflag:$0x3], $0x40, s1, s22, $0xb8;
	[tilespmem:$0x1CB00] =	vst v63  }
0x99: {  	_ =	swait.ge [sflag:s19], $0x2000  }
0x9a: {  	[sflag:s19] =	ssyncset.done $0x0  }
0x9b: {  	[sflag:s19] =	ssyncadd.s32 $0xFFFFE000  }
0x9c: {  	_ =	swait.ge [sflag:s23], $0x2000  }
0x9d: {  	[sflag:s23] =	ssyncset.done $0x0  }
0x9e: {  	[sflag:s23] =	ssyncadd.s32 $0xFFFFE000  }
0x9f: {  	[spmem:s3] =	stream.indirect.scatter.add.f32 [tilespmem:s20], [sflag:$0x3], $0x40, s26, s22, $0xb8;
	[tilespmem:$0x1CB00] =	vst v63  }
0xa0: {  	_ =	swait.ge [sflag:s19], $0x2000  }
0xa1: {  	s28 =	sadd.s32 $0x1, s28;
	[sflag:s19] =	ssyncset.done $0x0  }
0xa2: {  	p0 =	sne.s32 s28, s17;
	[sflag:s19] =	ssyncadd.s32 $0xFFFFE000  }
.Ltmp3:
0xa3: {  	s1 =	sshrl.u32 s7, $0x3;
	[bflag:$0x0] =	sbarrier.arrive $0xFFFF;
	(pc) =	sbr.rel @p0 .LBB2_1-.Ltmp3, $4  }
0xa4: {  	[hbm:s16], [sflag:s6] =	dma.local [spmem:s1], $0x13C0  }
0xa5: {  	_ =	swait.ge [sflag:s19], $0x13C0  }
0xa6: {  	[sflag:s19] =	ssyncset.done $0x0  }
0xa7: {  	[sflag:s19] =	ssyncadd.s32 $0xFFFFEC40  }
0xa8: {  	_ =	sfence.sel $0x180000  }
0xa9: {  	[bflag:$0x0] =	sbarrier.arrive $0xFFFF  }
0xaa: {  	_ =	strace $0x9000004A  }
0xab: {  	[bflag:$0x2] =	sbarrier.arrive $0xFFFF  }
0xac: {  	p0 =	sne.s32 s0, $0x0;
	s0 =	rddreg [dreg:$0x4]  }
0xad: {  	s0 =	sadd.s32 @!p0 $0x100000, s0  }
0xae: {  	[sflag:s0] =	ssyncadd.tile.s32 @!p0 $0x1;
	_ =	shalt  }
.Lfunc_end2:
_tile_overlayer_lowered:
.L_overlay_start_2:
0xaf: {  	(tag) =	ssettag $0x2  }
0xb0: {  	s0 =	rddreg [dreg:$0x0];
	s2 =	stileid.u32  }
0xb1: {  	s1 =	rddreg [dreg:$0x1];
	p0 =	sne.s32 s2, $0x0  }
0xb2: {  	s3 =	rddreg [dreg:$0x2];
	[bflag:$0x3] =	sbarrier.arrive $0xFFFF;
	s2 =	simm.s32 @!p0 $0x1C03  }
0xb3: {  	[timem:s3], [sflag:s2] =	dma.local @!p0 [hbm:s0], s1  }
0xb4: {  	s0 =	simm.s32 @!p0 $0x3  }
0xb5: {  	_ =	swait.ge @!p0 [sflag:s0], s1  }
0xb6: {  	s1 =	ssub.s32 @!p0 $0x0, s1;
	[sflag:s0] =	ssyncset.done @!p0 $0x0  }
0xb7: {  	[sflag:s0] =	ssyncadd.s32 @!p0 s1  }
0xb8: {  	[bflag:$0x3] =	sbarrier.arrive $0xFFFF  }
0xb9: {  	_ =	shalt  }

</sc_bundles>
